<compile_context>
chip_gen: v7x
topology: tpu7x:2x2x1
jax: 0.10.2.dev20260603
libtpu: 0.0.44.dev20260713+nightly
codegen_flags: <defaults>
</compile_context>

<pallas_src>
import functools

import jax
import jax.numpy as jnp
from jax import lax
from jax.experimental import pallas as pl
from jax.experimental.pallas import tpu as pltpu
from jax.experimental.pallas import tpu_sc as plsc

N = 10000
E = 320000
D_IN = 128
H = 64
W = 128

NC = 2
NS = 16
NW = NC * NS
BATCH = 128
SLOW_CORE = 0
K_SLOW = 78
K_FAST = 79
CAP = NS * (K_SLOW + K_FAST) * BATCH
N_PAD = -(-(N + 1) // (NS * 8)) * (NS * 8)
RPT = N_PAD // NS


def _edge_agg_body(y_hbm, src_hbm, dst_hbm, agg_out, src_v, dst_v, b0, acc_sh, g0):
    c = lax.axis_index("c")
    s = lax.axis_index("s")
    wid = s * NC + c
    base = s * RPT

    zv = jnp.zeros((16,), jnp.float32)

    def zrow(r, _):
        def zcol(k, _):
            b0[r, pl.ds(k * 16, 16)] = zv
            return 0
        return lax.fori_loop(0, W // 16, zcol, 0)
    lax.fori_loop(0, BATCH, zrow, 0)

    nfull = RPT // BATCH
    rem = RPT % BATCH

    def zacc(i, _):
        pltpu.sync_copy(b0, acc_sh.at[pl.ds(base + i * BATCH, BATCH)])
        return 0
    lax.fori_loop(0, nfull, zacc, 0)
    if rem:
        pltpu.sync_copy(b0.at[pl.ds(0, rem)],
                        acc_sh.at[pl.ds(base + nfull * BATCH, rem)])

    pltpu.sync_copy(src_hbm.at[wid], src_v)
    pltpu.sync_copy(dst_hbm.at[wid], dst_v)

    plsc.subcore_barrier()

    def chunk(j, _):
        pltpu.async_copy(y_hbm.at[src_v.at[j]], b0, g0).wait()
        pltpu.sync_copy(b0, acc_sh.at[dst_v.at[j]], add=True)
        return 0
    lax.fori_loop(0, K_SLOW, chunk, 0)

    @pl.when(c != SLOW_CORE)
    def _extra():
        lax.fori_loop(K_SLOW, K_FAST, chunk, 0)

    plsc.subcore_barrier()

    def wout(i, _):
        pltpu.sync_copy(acc_sh.at[pl.ds(base + i * BATCH, BATCH)],
                        agg_out.at[c, pl.ds(base + i * BATCH, BATCH)])
        return 0
    lax.fori_loop(0, nfull, wout, 0)
    if rem:
        pltpu.sync_copy(acc_sh.at[pl.ds(base + nfull * BATCH, rem)],
                        agg_out.at[c, pl.ds(base + nfull * BATCH, rem)])


_edge_agg = functools.partial(
    pl.kernel,
    mesh=plsc.VectorSubcoreMesh(core_axis_name="c", subcore_axis_name="s"),
    out_type=jax.ShapeDtypeStruct((NC, N_PAD, W), jnp.float32),
    scratch_types=[
        pltpu.VMEM((K_FAST, BATCH), jnp.int32),
        pltpu.VMEM((K_FAST, BATCH), jnp.int32),
        pltpu.VMEM((BATCH, W), jnp.float32),
        pltpu.VMEM_SHARED((N_PAD, W), jnp.float32),
        pltpu.SemaphoreType.DMA,
    ],
)(_edge_agg_body)



def _msg_table(h, wl):
    y = jnp.dot(h, wl, preferred_element_type=jnp.float32)
    ones = jnp.ones((h.shape[0], 1), jnp.float32)
    zeros = jnp.zeros((h.shape[0], W - H - 1), jnp.float32)
    return jnp.concatenate([y, ones, zeros], axis=1)


def _tc_pre_body(x_ref, wl_ref, wr_ref, b_ref, y_ref, z_ref):
    x = x_ref[...]
    y_ref[...] = _msg_table(x, wl_ref[...])
    z_ref[...] = (jnp.dot(x, wr_ref[...], preferred_element_type=jnp.float32)
                  + b_ref[...])


def _mean_relu(aggp_ref, z_ref):
    agg = (aggp_ref[0] + aggp_ref[1])[:N]
    deg = agg[:, H]
    deginv = 1.0 / jnp.maximum(deg, 1.0)
    return jnp.maximum(agg[:, :H] * deginv[:, None] + z_ref[...], 0.0)


def _tc_mid_body(aggp_ref, z_ref, wl_ref, wr_ref, b_ref, y_ref, z2_ref):
    h1 = _mean_relu(aggp_ref, z_ref)
    y_ref[...] = _msg_table(h1, wl_ref[...])
    z2_ref[...] = (jnp.dot(h1, wr_ref[...], preferred_element_type=jnp.float32)
                   + b_ref[...])


def _tc_post_body(aggp_ref, z_ref, wc_ref, bc_ref, out_ref):
    h2 = _mean_relu(aggp_ref, z_ref)
    out_ref[...] = (jnp.dot(h2, wc_ref[...], preferred_element_type=jnp.float32)
                    + bc_ref[...])


_tc_pre = pl.pallas_call(
    _tc_pre_body,
    out_shape=[jax.ShapeDtypeStruct((N, W), jnp.float32),
               jax.ShapeDtypeStruct((N, H), jnp.float32)],
)

_tc_mid = pl.pallas_call(
    _tc_mid_body,
    out_shape=[jax.ShapeDtypeStruct((N, W), jnp.float32),
               jax.ShapeDtypeStruct((N, H), jnp.float32)],
)

_tc_post = pl.pallas_call(
    _tc_post_body,
    out_shape=jax.ShapeDtypeStruct((N, 1), jnp.float32),
)



def kernel(x, edge_index, W1l, W1r, b1, W2l, W2r, b2, Wc, bc):
    pad = CAP - E
    src_p = jnp.concatenate([edge_index[0], jnp.zeros((pad,), jnp.int32)])
    dst_p = jnp.concatenate([edge_index[1], jnp.full((pad,), N, jnp.int32)])
    fill_n = (K_FAST - K_SLOW) * BATCH
    sfill = jnp.zeros((fill_n,), jnp.int32)
    dfill = jnp.full((fill_n,), N, jnp.int32)
    sparts, dparts, off = [], [], 0
    for wid_ in range(NW):
        k = K_SLOW if (wid_ % NC) == SLOW_CORE else K_FAST
        n = k * BATCH
        sparts.append(lax.slice(src_p, (off,), (off + n,)))
        dparts.append(lax.slice(dst_p, (off,), (off + n,)))
        if k < K_FAST:
            sparts.append(sfill)
            dparts.append(dfill)
        off += n
    assert off == CAP
    src3 = jnp.concatenate(sparts).reshape(NW, K_FAST, BATCH)
    dst3 = jnp.concatenate(dparts).reshape(NW, K_FAST, BATCH)

    y1, z1 = _tc_pre(x, W1l.T, W1r.T, b1.reshape(1, H))
    aggp1 = _edge_agg(y1, src3, dst3)
    y2, z2 = _tc_mid(aggp1, z1, W2l.T, W2r.T, b2.reshape(1, H))
    aggp2 = _edge_agg(y2, src3, dst3)
    out = _tc_post(aggp2, z2, Wc.T, bc.reshape(1, 1))
    return out.reshape(N)

# --- scband reference (transcript-rebuilt; emitter-appended) ---
"""Pipeline reference for scband-fraud-gnn-15994458210355 (READ-ONLY COPY).

The authoritative reference and input builder live on the scoring server;
editing this copy changes nothing except your own understanding.
"""

import jax, jax.numpy as jnp
import numpy as np

N = 10000
E = 320000
D_IN = 128
H = 64


def setup_inputs(seed: int = 0) -> dict:
    key = jax.random.key(seed)
    ks = jax.random.split(key, 10)
    x = jax.random.normal(ks[0], (N, D_IN), dtype=jnp.float32)
    edge_index = jax.random.randint(ks[1], (2, E), 0, N, dtype=jnp.int32)
    # SAGEConv layer 1: in=128 -> out=64 (lin_l for aggregated neighbors w/ bias, lin_r for root)
    s1 = 1.0 / np.sqrt(D_IN)
    W1l = jax.random.uniform(ks[2], (H, D_IN), dtype=jnp.float32, minval=-s1, maxval=s1)
    W1r = jax.random.uniform(ks[3], (H, D_IN), dtype=jnp.float32, minval=-s1, maxval=s1)
    b1 = jax.random.uniform(ks[4], (H,), dtype=jnp.float32, minval=-s1, maxval=s1)
    # SAGEConv layer 2: in=64 -> out=64
    s2 = 1.0 / np.sqrt(H)
    W2l = jax.random.uniform(ks[5], (H, H), dtype=jnp.float32, minval=-s2, maxval=s2)
    W2r = jax.random.uniform(ks[6], (H, H), dtype=jnp.float32, minval=-s2, maxval=s2)
    b2 = jax.random.uniform(ks[7], (H,), dtype=jnp.float32, minval=-s2, maxval=s2)
    # classifier: 64 -> 1
    Wc = jax.random.uniform(ks[8], (1, H), dtype=jnp.float32, minval=-s2, maxval=s2)
    bc = jax.random.uniform(ks[9], (1,), dtype=jnp.float32, minval=-s2, maxval=s2)
    return {"x": x, "edge_index": edge_index, "W1l": W1l, "W1r": W1r, "b1": b1,
            "W2l": W2l, "W2r": W2r, "b2": b2, "Wc": Wc, "bc": bc}


def reference(x, edge_index, W1l, W1r, b1, W2l, W2r, b2, Wc, bc):
    src = edge_index[0]
    dst = edge_index[1]

    def sage(h, Wl, Wr, b):
        # mean-aggregate neighbor messages: gather from src, scatter-add to dst
        agg = jax.ops.segment_sum(h[src], dst, num_segments=N)
        deg = jax.ops.segment_sum(jnp.ones((E,), dtype=h.dtype), dst, num_segments=N)
        mean = agg / jnp.clip(deg, 1.0, None)[:, None]
        # PyG SAGEConv: out = lin_l(aggr) + lin_r(x_root)
        return mean @ Wl.T + h @ Wr.T + b

    h = jax.nn.relu(sage(x, W1l, W1r, b1))  # dropout is identity in eval
    h = jax.nn.relu(sage(h, W2l, W2r, b2))
    logits = h @ Wc.T + bc
    return logits.squeeze(-1)

if __name__ == "__main__":
    import jax
    _d = setup_inputs()
    print(jax.jit(kernel)(*tuple(_d.values())))

</pallas_src>

<mosaic_0001>
#map = affine_map<(d0, d1) -> (0, 0)>
#map1 = affine_map<(d0, d1) -> (0, 0, 0)>
module attributes {stable_mosaic.version = 14 : i64} {
  func.func @_edge_agg_body(%arg0: i32, %arg1: i32, %arg2: memref<10000x128xf32, #tpu.memory_space<hbm>>, %arg3: memref<32x79x128xi32, #tpu.memory_space<hbm>>, %arg4: memref<32x79x128xi32, #tpu.memory_space<hbm>>, %arg5: memref<2x10112x128xf32, #tpu.memory_space<hbm>>, %arg6: memref<79x128xi32, #tpu.memory_space<vmem>>, %arg7: memref<79x128xi32, #tpu.memory_space<vmem>>, %arg8: memref<128x128xf32, #tpu.memory_space<vmem>>, %arg9: memref<10112x128xf32, #tpu.memory_space<vmem_shared>>, %arg10: memref<!tpu.dma_semaphore, #tpu.memory_space<semaphore_mem>>) attributes {dimension_semantics = [#tpu.dimension_semantics<core_parallel>, #tpu.dimension_semantics<subcore_parallel>], iteration_bounds = array<i64: 2, 16>, scalar_prefetch = 0 : i64, scratch_operands = 5 : i64, tpu.core_type = #tpu.core_type<sc_vector_subcore>, window_params = [{transform_indices = #map}, {transform_indices = #map1}, {transform_indices = #map1}, {transform_indices = #map1}]} {
    %mul3A = arith.constant 2 : i32
    %mul3A_0 = arith.muli %arg1, %mul3A : i32
    %add3A = arith.addi %mul3A_0, %arg0 : i32
    %mul3A_1 = arith.constant 632 : i32
    %mul3A_2 = arith.muli %arg1, %mul3A_1 : i32
    %broadcast_in_dim3A = arith.constant 0.000000e+00 : f32
    %broadcast_in_dim3A_3 = vector.broadcast %broadcast_in_dim3A : f32 to vector<16xf32>
    %scan3A = arith.constant 0 : i32
    %scan3A_4 = arith.constant 0 : i32
    %scan3A_5 = arith.constant 128 : i32
    %scan3A_6 = arith.addi %scan3A_4, %scan3A_5 : i32
    %scan3A_7 = arith.constant 1 : i32
    %scan3A_8 = scf.for %scan3A_40 = %scan3A_4 to %scan3A_6 step %scan3A_7 iter_args(%scan3A_41 = %scan3A) -> (i32)  : i32 {
      %scan3A_42 = arith.constant 0 : i32
      %scan3A_43 = arith.constant 0 : i32
      %scan3A_44 = arith.constant 8 : i32
      %scan3A_45 = arith.addi %scan3A_43, %scan3A_44 : i32
      %scan3A_46 = arith.constant 1 : i32
      %scan3A_47 = scf.for %scan3A_49 = %scan3A_43 to %scan3A_45 step %scan3A_46 iter_args(%scan3A_50 = %scan3A_42) -> (i32)  : i32 {
        %mul3A_51 = arith.constant 16 : i32
        %mul3A_52 = arith.muli %scan3A_49, %mul3A_51 : i32
        %swap3A = arith.index_cast %scan3A_40 : i32 to index
        %swap3A_53 = arith.index_cast %mul3A_52 : i32 to index
        %swap3A_54 = tpu.vector_load %arg8[%swap3A, %swap3A_53] {strides = array<i32>} : memref<128x128xf32, #tpu.memory_space<vmem>>, vector<1x16xf32>,
        %swap3A_55 = vector.shape_cast %swap3A_54 : vector<1x16xf32> to vector<16xf32>
        %swap3A_56 = vector.shape_cast %broadcast_in_dim3A_3 : vector<16xf32> to vector<1x16xf32>
        tpu.vector_store %arg8[%swap3A, %swap3A_53], %swap3A_56 {strides = array<i32>} : memref<128x128xf32, #tpu.memory_space<vmem>>, vector<1x16xf32>,
        %scan3A_57 = arith.constant 0 : i32
        scf.yield %scan3A_57 : i32
      }
      %scan3A_48 = arith.constant 8 : i32
      scf.yield %scan3A_47 : i32
    }
    %scan3A_9 = arith.constant 128 : i32
    %scan3A_10 = arith.constant 0 : i32
    %scan3A_11 = arith.constant 0 : i32
    %scan3A_12 = arith.constant 4 : i32
    %scan3A_13 = arith.addi %scan3A_11, %scan3A_12 : i32
    %scan3A_14 = arith.constant 1 : i32
    %scan3A_15 = scf.for %scan3A_40 = %scan3A_11 to %scan3A_13 step %scan3A_14 iter_args(%scan3A_41 = %scan3A_10) -> (i32)  : i32 {
      %mul3A_42 = arith.constant 128 : i32
      %mul3A_43 = arith.muli %scan3A_40, %mul3A_42 : i32
      %add3A_44 = arith.addi %mul3A_2, %mul3A_43 : i32
      "tpu.region"() ({
        %run_scoped3A = tpu.sem_alloc : memref<!tpu.dma_semaphore, #tpu.memory_space<semaphore_mem>>
        %dma_start3A = arith.constant 0 : i32
        %dma_start3A_46 = tpu.memref_slice %arg9[%add3A_44, %dma_start3A] : memref<10112x128xf32, #tpu.memory_space<vmem_shared>> -> memref<128x128xf32, #tpu.memory_space<vmem_shared>>
        %dma_start3A_47 = arith.constant 0 : i32
        %dma_start3A_48 = tpu.memref_slice %arg9[%add3A_44, %dma_start3A_47] : memref<10112x128xf32, #tpu.memory_space<vmem_shared>> -> memref<128x128xf32, #tpu.memory_space<vmem_shared>>
        tpu.enqueue_dma source(%arg8 : memref<128x128xf32, #tpu.memory_space<vmem>>) target(%dma_start3A_48 : memref<128x128xf32, #tpu.memory_space<vmem_shared>>) target_semaphore(%run_scoped3A : memref<!tpu.dma_semaphore, #tpu.memory_space<semaphore_mem>>)
        %dma_wait3A = arith.constant 0 : i32
        %dma_wait3A_49 = tpu.memref_slice %arg9[%add3A_44, %dma_wait3A] : memref<10112x128xf32, #tpu.memory_space<vmem_shared>> -> memref<128x128xf32, #tpu.memory_space<vmem_shared>>
        %dma_wait3A_50 = arith.constant 0 : i32
        %dma_wait3A_51 = tpu.memref_slice %arg9[%add3A_44, %dma_wait3A_50] : memref<10112x128xf32, #tpu.memory_space<vmem_shared>> -> memref<128x128xf32, #tpu.memory_space<vmem_shared>>
        tpu.wait_dma2 semaphore(%run_scoped3A : memref<!tpu.dma_semaphore, #tpu.memory_space<semaphore_mem>>) src(%arg8 : memref<128x128xf32, #tpu.memory_space<vmem>>) dst(%dma_wait3A_51 : memref<128x128xf32, #tpu.memory_space<vmem_shared>>)
        tpu.yield
      }) : () -> ()
      %scan3A_45 = arith.constant 0 : i32
      scf.yield %scan3A_45 : i32
    }
    %scan3A_16 = arith.constant 4 : i32
    %add3A_17 = arith.constant 512 : i32
    %add3A_18 = arith.addi %mul3A_2, %add3A_17 : i32
    "tpu.region"() ({
      %run_scoped3A = tpu.sem_alloc : memref<!tpu.dma_semaphore, #tpu.memory_space<semaphore_mem>>
      %dma_start3A = arith.constant 0 : i32
      %dma_start3A_40 = arith.constant 0 : i32
      %dma_start3A_41 = tpu.memref_slice %arg8[%dma_start3A, %dma_start3A_40] : memref<128x128xf32, #tpu.memory_space<vmem>> -> memref<120x128xf32, #tpu.memory_space<vmem>>
      %dma_start3A_42 = arith.constant 0 : i32
      %dma_start3A_43 = tpu.memref_slice %arg9[%add3A_18, %dma_start3A_42] : memref<10112x128xf32, #tpu.memory_space<vmem_shared>> -> memref<120x128xf32, #tpu.memory_space<vmem_shared>>
      %dma_start3A_44 = arith.constant 0 : i32
      %dma_start3A_45 = tpu.memref_slice %arg9[%add3A_18, %dma_start3A_44] : memref<10112x128xf32, #tpu.memory_space<vmem_shared>> -> memref<120x128xf32, #tpu.memory_space<vmem_shared>>
      %dma_start3A_46 = arith.constant 0 : i32
      %dma_start3A_47 = arith.constant 0 : i32
      %dma_start3A_48 = tpu.memref_slice %arg8[%dma_start3A_46, %dma_start3A_47] : memref<128x128xf32, #tpu.memory_space<vmem>> -> memref<120x128xf32, #tpu.memory_space<vmem>>
      tpu.enqueue_dma source(%dma_start3A_48 : memref<120x128xf32, #tpu.memory_space<vmem>>) target(%dma_start3A_45 : memref<120x128xf32, #tpu.memory_space<vmem_shared>>) target_semaphore(%run_scoped3A : memref<!tpu.dma_semaphore, #tpu.memory_space<semaphore_mem>>)
      %dma_wait3A = arith.constant 0 : i32
      %dma_wait3A_49 = arith.constant 0 : i32
      %dma_wait3A_50 = tpu.memref_slice %arg8[%dma_wait3A, %dma_wait3A_49] : memref<128x128xf32, #tpu.memory_space<vmem>> -> memref<120x128xf32, #tpu.memory_space<vmem>>
      %dma_wait3A_51 = arith.constant 0 : i32
      %dma_wait3A_52 = tpu.memref_slice %arg9[%add3A_18, %dma_wait3A_51] : memref<10112x128xf32, #tpu.memory_space<vmem_shared>> -> memref<120x128xf32, #tpu.memory_space<vmem_shared>>
      %dma_wait3A_53 = arith.constant 0 : i32
      %dma_wait3A_54 = tpu.memref_slice %arg9[%add3A_18, %dma_wait3A_53] : memref<10112x128xf32, #tpu.memory_space<vmem_shared>> -> memref<120x128xf32, #tpu.memory_space<vmem_shared>>
      %dma_wait3A_55 = arith.constant 0 : i32
      %dma_wait3A_56 = arith.constant 0 : i32
      %dma_wait3A_57 = tpu.memref_slice %arg8[%dma_wait3A_55, %dma_wait3A_56] : memref<128x128xf32, #tpu.memory_space<vmem>> -> memref<120x128xf32, #tpu.memory_space<vmem>>
      tpu.wait_dma2 semaphore(%run_scoped3A : memref<!tpu.dma_semaphore, #tpu.memory_space<semaphore_mem>>) src(%dma_wait3A_57 : memref<120x128xf32, #tpu.memory_space<vmem>>) dst(%dma_wait3A_54 : memref<120x128xf32, #tpu.memory_space<vmem_shared>>)
      tpu.yield
    }) : () -> ()
    "tpu.region"() ({
      %run_scoped3A = tpu.sem_alloc : memref<!tpu.dma_semaphore, #tpu.memory_space<semaphore_mem>>
      %dma_start3A = arith.constant 0 : i32
      %dma_start3A_40 = arith.constant 0 : i32
      %dma_start3A_41 = tpu.memref_slice %arg3[%add3A, %dma_start3A, %dma_start3A_40] : memref<32x79x128xi32, #tpu.memory_space<hbm>> -> memref<1x79x128xi32, #tpu.memory_space<hbm>>
      %dma_start3A_42 = tpu.memref_squeeze %dma_start3A_41 : memref<1x79x128xi32, #tpu.memory_space<hbm>> -> memref<79x128xi32, #tpu.memory_space<hbm>>
      %dma_start3A_43 = arith.constant 0 : i32
      %dma_start3A_44 = arith.constant 0 : i32
      %dma_start3A_45 = tpu.memref_slice %arg3[%add3A, %dma_start3A_43, %dma_start3A_44] : memref<32x79x128xi32, #tpu.memory_space<hbm>> -> memref<1x79x128xi32, #tpu.memory_space<hbm>>
      %dma_start3A_46 = tpu.memref_squeeze %dma_start3A_45 : memref<1x79x128xi32, #tpu.memory_space<hbm>> -> memref<79x128xi32, #tpu.memory_space<hbm>>
      tpu.enqueue_dma source(%dma_start3A_46 : memref<79x128xi32, #tpu.memory_space<hbm>>) target(%arg6 : memref<79x128xi32, #tpu.memory_space<vmem>>) target_semaphore(%run_scoped3A : memref<!tpu.dma_semaphore, #tpu.memory_space<semaphore_mem>>)
      %dma_wait3A = arith.constant 0 : i32
      %dma_wait3A_47 = arith.constant 0 : i32
      %dma_wait3A_48 = tpu.memref_slice %arg3[%add3A, %dma_wait3A, %dma_wait3A_47] : memref<32x79x128xi32, #tpu.memory_space<hbm>> -> memref<1x79x128xi32, #tpu.memory_space<hbm>>
      %dma_wait3A_49 = tpu.memref_squeeze %dma_wait3A_48 : memref<1x79x128xi32, #tpu.memory_space<hbm>> -> memref<79x128xi32, #tpu.memory_space<hbm>>
      %dma_wait3A_50 = arith.constant 0 : i32
      %dma_wait3A_51 = arith.constant 0 : i32
      %dma_wait3A_52 = tpu.memref_slice %arg3[%add3A, %dma_wait3A_50, %dma_wait3A_51] : memref<32x79x128xi32, #tpu.memory_space<hbm>> -> memref<1x79x128xi32, #tpu.memory_space<hbm>>
      %dma_wait3A_53 = tpu.memref_squeeze %dma_wait3A_52 : memref<1x79x128xi32, #tpu.memory_space<hbm>> -> memref<79x128xi32, #tpu.memory_space<hbm>>
      tpu.wait_dma2 semaphore(%run_scoped3A : memref<!tpu.dma_semaphore, #tpu.memory_space<semaphore_mem>>) src(%dma_wait3A_53 : memref<79x128xi32, #tpu.memory_space<hbm>>) dst(%arg6 : memref<79x128xi32, #tpu.memory_space<vmem>>)
      tpu.yield
    }) : () -> ()
    "tpu.region"() ({
      %run_scoped3A = tpu.sem_alloc : memref<!tpu.dma_semaphore, #tpu.memory_space<semaphore_mem>>
      %dma_start3A = arith.constant 0 : i32
      %dma_start3A_40 = arith.constant 0 : i32
      %dma_start3A_41 = tpu.memref_slice %arg4[%add3A, %dma_start3A, %dma_start3A_40] : memref<32x79x128xi32, #tpu.memory_space<hbm>> -> memref<1x79x128xi32, #tpu.memory_space<hbm>>
      %dma_start3A_42 = tpu.memref_squeeze %dma_start3A_41 : memref<1x79x128xi32, #tpu.memory_space<hbm>> -> memref<79x128xi32, #tpu.memory_space<hbm>>
      %dma_start3A_43 = arith.constant 0 : i32
      %dma_start3A_44 = arith.constant 0 : i32
      %dma_start3A_45 = tpu.memref_slice %arg4[%add3A, %dma_start3A_43, %dma_start3A_44] : memref<32x79x128xi32, #tpu.memory_space<hbm>> -> memref<1x79x128xi32, #tpu.memory_space<hbm>>
      %dma_start3A_46 = tpu.memref_squeeze %dma_start3A_45 : memref<1x79x128xi32, #tpu.memory_space<hbm>> -> memref<79x128xi32, #tpu.memory_space<hbm>>
      tpu.enqueue_dma source(%dma_start3A_46 : memref<79x128xi32, #tpu.memory_space<hbm>>) target(%arg7 : memref<79x128xi32, #tpu.memory_space<vmem>>) target_semaphore(%run_scoped3A : memref<!tpu.dma_semaphore, #tpu.memory_space<semaphore_mem>>)
      %dma_wait3A = arith.constant 0 : i32
      %dma_wait3A_47 = arith.constant 0 : i32
      %dma_wait3A_48 = tpu.memref_slice %arg4[%add3A, %dma_wait3A, %dma_wait3A_47] : memref<32x79x128xi32, #tpu.memory_space<hbm>> -> memref<1x79x128xi32, #tpu.memory_space<hbm>>
      %dma_wait3A_49 = tpu.memref_squeeze %dma_wait3A_48 : memref<1x79x128xi32, #tpu.memory_space<hbm>> -> memref<79x128xi32, #tpu.memory_space<hbm>>
      %dma_wait3A_50 = arith.constant 0 : i32
      %dma_wait3A_51 = arith.constant 0 : i32
      %dma_wait3A_52 = tpu.memref_slice %arg4[%add3A, %dma_wait3A_50, %dma_wait3A_51] : memref<32x79x128xi32, #tpu.memory_space<hbm>> -> memref<1x79x128xi32, #tpu.memory_space<hbm>>
      %dma_wait3A_53 = tpu.memref_squeeze %dma_wait3A_52 : memref<1x79x128xi32, #tpu.memory_space<hbm>> -> memref<79x128xi32, #tpu.memory_space<hbm>>
      tpu.wait_dma2 semaphore(%run_scoped3A : memref<!tpu.dma_semaphore, #tpu.memory_space<semaphore_mem>>) src(%dma_wait3A_53 : memref<79x128xi32, #tpu.memory_space<hbm>>) dst(%arg7 : memref<79x128xi32, #tpu.memory_space<vmem>>)
      tpu.yield
    }) : () -> ()
    %barrier3A = arith.constant 0 : index
    tpu.barrier barrier_id(%barrier3A)
    %scan3A_19 = arith.constant 0 : i32
    %scan3A_20 = arith.constant 0 : i32
    %scan3A_21 = arith.constant 78 : i32
    %scan3A_22 = arith.addi %scan3A_20, %scan3A_21 : i32
    %scan3A_23 = arith.constant 1 : i32
    %scan3A_24 = scf.for %scan3A_40 = %scan3A_20 to %scan3A_22 step %scan3A_23 iter_args(%scan3A_41 = %scan3A_19) -> (i32)  : i32 {
      %dma_start3A = arith.constant 0 : i32
      %dma_start3A_42 = tpu.memref_slice %arg6[%scan3A_40, %dma_start3A] : memref<79x128xi32, #tpu.memory_space<vmem>> -> memref<1x128xi32, #tpu.memory_space<vmem>>
      %dma_start3A_43 = tpu.memref_squeeze %dma_start3A_42 : memref<1x128xi32, #tpu.memory_space<vmem>> -> memref<128xi32, #tpu.memory_space<vmem>>
      %dma_start3A_44 = arith.constant 0 : i32
      %dma_start3A_45 = arith.constant 0 : i32
      %dma_start3A_46 = tpu.memref_slice %arg2[%dma_start3A_44, %dma_start3A_45] : memref<10000x128xf32, #tpu.memory_space<hbm>> -> memref<10000x128xf32, #tpu.memory_space<hbm>>
      tpu.enqueue_indirect_dma source(%dma_start3A_46 : memref<10000x128xf32, #tpu.memory_space<hbm>>) target(%arg8 : memref<128x128xf32, #tpu.memory_space<vmem>>) offsets(%dma_start3A_43 : memref<128xi32, #tpu.memory_space<vmem>>) semaphore(%arg10 : memref<!tpu.dma_semaphore, #tpu.memory_space<semaphore_mem>>)
      %dma_wait3A = arith.constant 0 : i32
      %dma_wait3A_47 = tpu.memref_slice %arg6[%scan3A_40, %dma_wait3A] : memref<79x128xi32, #tpu.memory_space<vmem>> -> memref<1x128xi32, #tpu.memory_space<vmem>>
      %dma_wait3A_48 = tpu.memref_squeeze %dma_wait3A_47 : memref<1x128xi32, #tpu.memory_space<vmem>> -> memref<128xi32, #tpu.memory_space<vmem>>
      %dma_wait3A_49 = arith.constant 0 : i32
      %dma_wait3A_50 = arith.constant 0 : i32
      %dma_wait3A_51 = tpu.memref_slice %arg2[%dma_wait3A_49, %dma_wait3A_50] : memref<10000x128xf32, #tpu.memory_space<hbm>> -> memref<10000x128xf32, #tpu.memory_space<hbm>>
      tpu.wait_indirect_dma semaphore(%arg10 : memref<!tpu.dma_semaphore, #tpu.memory_space<semaphore_mem>>) src(%dma_wait3A_51 : memref<10000x128xf32, #tpu.memory_space<hbm>>) dst(%arg8 : memref<128x128xf32, #tpu.memory_space<vmem>>)
      "tpu.region"() ({
        %run_scoped3A = tpu.sem_alloc : memref<!tpu.dma_semaphore, #tpu.memory_space<semaphore_mem>>
        %dma_start3A_53 = arith.constant 0 : i32
        %dma_start3A_54 = tpu.memref_slice %arg7[%scan3A_40, %dma_start3A_53] : memref<79x128xi32, #tpu.memory_space<vmem>> -> memref<1x128xi32, #tpu.memory_space<vmem>>
        %dma_start3A_55 = tpu.memref_squeeze %dma_start3A_54 : memref<1x128xi32, #tpu.memory_space<vmem>> -> memref<128xi32, #tpu.memory_space<vmem>>
        %dma_start3A_56 = arith.constant 0 : i32
        %dma_start3A_57 = arith.constant 0 : i32
        %dma_start3A_58 = tpu.memref_slice %arg9[%dma_start3A_56, %dma_start3A_57] : memref<10112x128xf32, #tpu.memory_space<vmem_shared>> -> memref<10112x128xf32, #tpu.memory_space<vmem_shared>>
        tpu.enqueue_indirect_dma source(%arg8 : memref<128x128xf32, #tpu.memory_space<vmem>>) target(%dma_start3A_58 : memref<10112x128xf32, #tpu.memory_space<vmem_shared>>) offsets(%dma_start3A_55 : memref<128xi32, #tpu.memory_space<vmem>>) semaphore(%run_scoped3A : memref<!tpu.dma_semaphore, #tpu.memory_space<semaphore_mem>>) {add = true}
        %dma_wait3A_59 = arith.constant 0 : i32
        %dma_wait3A_60 = tpu.memref_slice %arg7[%scan3A_40, %dma_wait3A_59] : memref<79x128xi32, #tpu.memory_space<vmem>> -> memref<1x128xi32, #tpu.memory_space<vmem>>
        %dma_wait3A_61 = tpu.memref_squeeze %dma_wait3A_60 : memref<1x128xi32, #tpu.memory_space<vmem>> -> memref<128xi32, #tpu.memory_space<vmem>>
        %dma_wait3A_62 = arith.constant 0 : i32
        %dma_wait3A_63 = arith.constant 0 : i32
        %dma_wait3A_64 = tpu.memref_slice %arg9[%dma_wait3A_62, %dma_wait3A_63] : memref<10112x128xf32, #tpu.memory_space<vmem_shared>> -> memref<10112x128xf32, #tpu.memory_space<vmem_shared>>
        tpu.wait_indirect_dma semaphore(%run_scoped3A : memref<!tpu.dma_semaphore, #tpu.memory_space<semaphore_mem>>) src(%arg8 : memref<128x128xf32, #tpu.memory_space<vmem>>) dst(%dma_wait3A_64 : memref<10112x128xf32, #tpu.memory_space<vmem_shared>>)
        tpu.yield
      }) : () -> ()
      %scan3A_52 = arith.constant 0 : i32
      scf.yield %scan3A_52 : i32
    }
    %scan3A_25 = arith.constant 78 : i32
    %ne3A = arith.constant 0 : i32
    %ne3A_26 = arith.cmpi ne, %arg0, %ne3A : i32
    %convert_element_type3A = arith.extui %ne3A_26 : i1 to i32
    %cond3A = arith.constant 0 : i32
    %cond3A_27 = arith.cmpi ne, %convert_element_type3A, %cond3A : i32
    scf.if %cond3A_27 {
      %scan3A_40 = arith.constant 0 : i32
      %scan3A_41 = arith.constant 78 : i32
      %dma_start3A = arith.constant 0 : i32
      %dma_start3A_42 = tpu.memref_slice %arg6[%scan3A_41, %dma_start3A] : memref<79x128xi32, #tpu.memory_space<vmem>> -> memref<1x128xi32, #tpu.memory_space<vmem>>
      %dma_start3A_43 = tpu.memref_squeeze %dma_start3A_42 : memref<1x128xi32, #tpu.memory_space<vmem>> -> memref<128xi32, #tpu.memory_space<vmem>>
      %dma_start3A_44 = arith.constant 0 : i32
      %dma_start3A_45 = arith.constant 0 : i32
      %dma_start3A_46 = tpu.memref_slice %arg2[%dma_start3A_44, %dma_start3A_45] : memref<10000x128xf32, #tpu.memory_space<hbm>> -> memref<10000x128xf32, #tpu.memory_space<hbm>>
      tpu.enqueue_indirect_dma source(%dma_start3A_46 : memref<10000x128xf32, #tpu.memory_space<hbm>>) target(%arg8 : memref<128x128xf32, #tpu.memory_space<vmem>>) offsets(%dma_start3A_43 : memref<128xi32, #tpu.memory_space<vmem>>) semaphore(%arg10 : memref<!tpu.dma_semaphore, #tpu.memory_space<semaphore_mem>>)
      %dma_wait3A = arith.constant 0 : i32
      %dma_wait3A_47 = tpu.memref_slice %arg6[%scan3A_41, %dma_wait3A] : memref<79x128xi32, #tpu.memory_space<vmem>> -> memref<1x128xi32, #tpu.memory_space<vmem>>
      %dma_wait3A_48 = tpu.memref_squeeze %dma_wait3A_47 : memref<1x128xi32, #tpu.memory_space<vmem>> -> memref<128xi32, #tpu.memory_space<vmem>>
      %dma_wait3A_49 = arith.constant 0 : i32
      %dma_wait3A_50 = arith.constant 0 : i32
      %dma_wait3A_51 = tpu.memref_slice %arg2[%dma_wait3A_49, %dma_wait3A_50] : memref<10000x128xf32, #tpu.memory_space<hbm>> -> memref<10000x128xf32, #tpu.memory_space<hbm>>
      tpu.wait_indirect_dma semaphore(%arg10 : memref<!tpu.dma_semaphore, #tpu.memory_space<semaphore_mem>>) src(%dma_wait3A_51 : memref<10000x128xf32, #tpu.memory_space<hbm>>) dst(%arg8 : memref<128x128xf32, #tpu.memory_space<vmem>>)
      "tpu.region"() ({
        %run_scoped3A = tpu.sem_alloc : memref<!tpu.dma_semaphore, #tpu.memory_space<semaphore_mem>>
        %dma_start3A_54 = arith.constant 0 : i32
        %dma_start3A_55 = tpu.memref_slice %arg7[%scan3A_41, %dma_start3A_54] : memref<79x128xi32, #tpu.memory_space<vmem>> -> memref<1x128xi32, #tpu.memory_space<vmem>>
        %dma_start3A_56 = tpu.memref_squeeze %dma_start3A_55 : memref<1x128xi32, #tpu.memory_space<vmem>> -> memref<128xi32, #tpu.memory_space<vmem>>
        %dma_start3A_57 = arith.constant 0 : i32
        %dma_start3A_58 = arith.constant 0 : i32
        %dma_start3A_59 = tpu.memref_slice %arg9[%dma_start3A_57, %dma_start3A_58] : memref<10112x128xf32, #tpu.memory_space<vmem_shared>> -> memref<10112x128xf32, #tpu.memory_space<vmem_shared>>
        tpu.enqueue_indirect_dma source(%arg8 : memref<128x128xf32, #tpu.memory_space<vmem>>) target(%dma_start3A_59 : memref<10112x128xf32, #tpu.memory_space<vmem_shared>>) offsets(%dma_start3A_56 : memref<128xi32, #tpu.memory_space<vmem>>) semaphore(%run_scoped3A : memref<!tpu.dma_semaphore, #tpu.memory_space<semaphore_mem>>) {add = true}
        %dma_wait3A_60 = arith.constant 0 : i32
        %dma_wait3A_61 = tpu.memref_slice %arg7[%scan3A_41, %dma_wait3A_60] : memref<79x128xi32, #tpu.memory_space<vmem>> -> memref<1x128xi32, #tpu.memory_space<vmem>>
        %dma_wait3A_62 = tpu.memref_squeeze %dma_wait3A_61 : memref<1x128xi32, #tpu.memory_space<vmem>> -> memref<128xi32, #tpu.memory_space<vmem>>
        %dma_wait3A_63 = arith.constant 0 : i32
        %dma_wait3A_64 = arith.constant 0 : i32
        %dma_wait3A_65 = tpu.memref_slice %arg9[%dma_wait3A_63, %dma_wait3A_64] : memref<10112x128xf32, #tpu.memory_space<vmem_shared>> -> memref<10112x128xf32, #tpu.memory_space<vmem_shared>>
        tpu.wait_indirect_dma semaphore(%run_scoped3A : memref<!tpu.dma_semaphore, #tpu.memory_space<semaphore_mem>>) src(%arg8 : memref<128x128xf32, #tpu.memory_space<vmem>>) dst(%dma_wait3A_65 : memref<10112x128xf32, #tpu.memory_space<vmem_shared>>)
        tpu.yield
      }) : () -> ()
      %scan3A_52 = arith.constant 0 : i32
      %scan3A_53 = arith.constant 1 : i32
    } else {
    }
    %barrier3A_28 = arith.constant 0 : index
    tpu.barrier barrier_id(%barrier3A_28)
    %scan3A_29 = arith.constant 0 : i32
    %scan3A_30 = arith.constant 0 : i32
    %scan3A_31 = arith.constant 4 : i32
    %scan3A_32 = arith.addi %scan3A_30, %scan3A_31 : i32
    %scan3A_33 = arith.constant 1 : i32
    %scan3A_34 = scf.for %scan3A_40 = %scan3A_30 to %scan3A_32 step %scan3A_33 iter_args(%scan3A_41 = %scan3A_29) -> (i32)  : i32 {
      %mul3A_42 = arith.constant 128 : i32
      %mul3A_43 = arith.muli %scan3A_40, %mul3A_42 : i32
      %add3A_44 = arith.addi %mul3A_2, %mul3A_43 : i32
      %mul3A_45 = arith.constant 128 : i32
      %mul3A_46 = arith.muli %scan3A_40, %mul3A_45 : i32
      %add3A_47 = arith.addi %mul3A_2, %mul3A_46 : i32
      "tpu.region"() ({
        %run_scoped3A = tpu.sem_alloc : memref<!tpu.dma_semaphore, #tpu.memory_space<semaphore_mem>>
        %dma_start3A = arith.constant 0 : i32
        %dma_start3A_49 = tpu.memref_slice %arg5[%arg0, %add3A_47, %dma_start3A] : memref<2x10112x128xf32, #tpu.memory_space<hbm>> -> memref<1x128x128xf32, #tpu.memory_space<hbm>>
        %dma_start3A_50 = tpu.memref_squeeze %dma_start3A_49 : memref<1x128x128xf32, #tpu.memory_space<hbm>> -> memref<128x128xf32, #tpu.memory_space<hbm>>
        %dma_start3A_51 = arith.constant 0 : i32
        %dma_start3A_52 = tpu.memref_slice %arg9[%add3A_44, %dma_start3A_51] : memref<10112x128xf32, #tpu.memory_space<vmem_shared>> -> memref<128x128xf32, #tpu.memory_space<vmem_shared>>
        tpu.enqueue_dma source(%dma_start3A_52 : memref<128x128xf32, #tpu.memory_space<vmem_shared>>) target(%dma_start3A_50 : memref<128x128xf32, #tpu.memory_space<hbm>>) target_semaphore(%run_scoped3A : memref<!tpu.dma_semaphore, #tpu.memory_space<semaphore_mem>>)
        %dma_wait3A = arith.constant 0 : i32
        %dma_wait3A_53 = tpu.memref_slice %arg5[%arg0, %add3A_47, %dma_wait3A] : memref<2x10112x128xf32, #tpu.memory_space<hbm>> -> memref<1x128x128xf32, #tpu.memory_space<hbm>>
        %dma_wait3A_54 = tpu.memref_squeeze %dma_wait3A_53 : memref<1x128x128xf32, #tpu.memory_space<hbm>> -> memref<128x128xf32, #tpu.memory_space<hbm>>
        %dma_wait3A_55 = arith.constant 0 : i32
        %dma_wait3A_56 = tpu.memref_slice %arg9[%add3A_44, %dma_wait3A_55] : memref<10112x128xf32, #tpu.memory_space<vmem_shared>> -> memref<128x128xf32, #tpu.memory_space<vmem_shared>>
        tpu.wait_dma2 semaphore(%run_scoped3A : memref<!tpu.dma_semaphore, #tpu.memory_space<semaphore_mem>>) src(%dma_wait3A_56 : memref<128x128xf32, #tpu.memory_space<vmem_shared>>) dst(%dma_wait3A_54 : memref<128x128xf32, #tpu.memory_space<hbm>>)
        tpu.yield
      }) : () -> ()
      %scan3A_48 = arith.constant 0 : i32
      scf.yield %scan3A_48 : i32
    }
    %scan3A_35 = arith.constant 4 : i32
    %add3A_36 = arith.constant 512 : i32
    %add3A_37 = arith.addi %mul3A_2, %add3A_36 : i32
    %add3A_38 = arith.constant 512 : i32
    %add3A_39 = arith.addi %mul3A_2, %add3A_38 : i32
    "tpu.region"() ({
      %run_scoped3A = tpu.sem_alloc : memref<!tpu.dma_semaphore, #tpu.memory_space<semaphore_mem>>
      %dma_start3A = arith.constant 0 : i32
      %dma_start3A_40 = tpu.memref_slice %arg5[%arg0, %add3A_39, %dma_start3A] : memref<2x10112x128xf32, #tpu.memory_space<hbm>> -> memref<1x120x128xf32, #tpu.memory_space<hbm>>
      %dma_start3A_41 = tpu.memref_squeeze %dma_start3A_40 : memref<1x120x128xf32, #tpu.memory_space<hbm>> -> memref<120x128xf32, #tpu.memory_space<hbm>>
      %dma_start3A_42 = arith.constant 0 : i32
      %dma_start3A_43 = tpu.memref_slice %arg9[%add3A_37, %dma_start3A_42] : memref<10112x128xf32, #tpu.memory_space<vmem_shared>> -> memref<120x128xf32, #tpu.memory_space<vmem_shared>>
      tpu.enqueue_dma source(%dma_start3A_43 : memref<120x128xf32, #tpu.memory_space<vmem_shared>>) target(%dma_start3A_41 : memref<120x128xf32, #tpu.memory_space<hbm>>) target_semaphore(%run_scoped3A : memref<!tpu.dma_semaphore, #tpu.memory_space<semaphore_mem>>)
      %dma_wait3A = arith.constant 0 : i32
      %dma_wait3A_44 = tpu.memref_slice %arg5[%arg0, %add3A_39, %dma_wait3A] : memref<2x10112x128xf32, #tpu.memory_space<hbm>> -> memref<1x120x128xf32, #tpu.memory_space<hbm>>
      %dma_wait3A_45 = tpu.memref_squeeze %dma_wait3A_44 : memref<1x120x128xf32, #tpu.memory_space<hbm>> -> memref<120x128xf32, #tpu.memory_space<hbm>>
      %dma_wait3A_46 = arith.constant 0 : i32
      %dma_wait3A_47 = tpu.memref_slice %arg9[%add3A_37, %dma_wait3A_46] : memref<10112x128xf32, #tpu.memory_space<vmem_shared>> -> memref<120x128xf32, #tpu.memory_space<vmem_shared>>
      tpu.wait_dma2 semaphore(%run_scoped3A : memref<!tpu.dma_semaphore, #tpu.memory_space<semaphore_mem>>) src(%dma_wait3A_47 : memref<120x128xf32, #tpu.memory_space<vmem_shared>>) dst(%dma_wait3A_45 : memref<120x128xf32, #tpu.memory_space<hbm>>)
      tpu.yield
    }) : () -> ()
    return
  }
}

#map = affine_map<(d0, d1) -> (0, 0)>
#map1 = affine_map<(d0, d1) -> (0, 0, 0)>
module attributes {stable_mosaic.version = 14 : i64} {
  func.func @_edge_agg_body(%arg0: i32, %arg1: i32, %arg2: memref<10000x128xf32, #tpu.memory_space<hbm>>, %arg3: memref<32x79x128xi32, #tpu.memory_space<hbm>>, %arg4: memref<32x79x128xi32, #tpu.memory_space<hbm>>, %arg5: memref<2x10112x128xf32, #tpu.memory_space<hbm>>, %arg6: memref<79x128xi32, #tpu.memory_space<vmem>>, %arg7: memref<79x128xi32, #tpu.memory_space<vmem>>, %arg8: memref<128x128xf32, #tpu.memory_space<vmem>>, %arg9: memref<10112x128xf32, #tpu.memory_space<vmem_shared>>, %arg10: memref<!tpu.dma_semaphore, #tpu.memory_space<semaphore_mem>>) attributes {dimension_semantics = [#tpu.dimension_semantics<core_parallel>, #tpu.dimension_semantics<subcore_parallel>], iteration_bounds = array<i64: 2, 16>, scalar_prefetch = 0 : i64, scratch_operands = 5 : i64, tpu.core_type = #tpu.core_type<sc_vector_subcore>, window_params = [{transform_indices = #map}, {transform_indices = #map1}, {transform_indices = #map1}, {transform_indices = #map1}]} {
    %mul3A = arith.constant 2 : i32
    %mul3A_0 = arith.muli %arg1, %mul3A : i32
    %add3A = arith.addi %mul3A_0, %arg0 : i32
    %mul3A_1 = arith.constant 632 : i32
    %mul3A_2 = arith.muli %arg1, %mul3A_1 : i32
    %broadcast_in_dim3A = arith.constant 0.000000e+00 : f32
    %broadcast_in_dim3A_3 = vector.broadcast %broadcast_in_dim3A : f32 to vector<16xf32>
    %scan3A = arith.constant 0 : i32
    %scan3A_4 = arith.constant 0 : i32
    %scan3A_5 = arith.constant 128 : i32
    %scan3A_6 = arith.addi %scan3A_4, %scan3A_5 : i32
    %scan3A_7 = arith.constant 1 : i32
    %scan3A_8 = scf.for %scan3A_40 = %scan3A_4 to %scan3A_6 step %scan3A_7 iter_args(%scan3A_41 = %scan3A) -> (i32)  : i32 {
      %scan3A_42 = arith.constant 0 : i32
      %scan3A_43 = arith.constant 0 : i32
      %scan3A_44 = arith.constant 8 : i32
      %scan3A_45 = arith.addi %scan3A_43, %scan3A_44 : i32
      %scan3A_46 = arith.constant 1 : i32
      %scan3A_47 = scf.for %scan3A_49 = %scan3A_43 to %scan3A_45 step %scan3A_46 iter_args(%scan3A_50 = %scan3A_42) -> (i32)  : i32 {
        %mul3A_51 = arith.constant 16 : i32
        %mul3A_52 = arith.muli %scan3A_49, %mul3A_51 : i32
        %swap3A = arith.index_cast %scan3A_40 : i32 to index
        %swap3A_53 = arith.index_cast %mul3A_52 : i32 to index
        %swap3A_54 = tpu.vector_load %arg8[%swap3A, %swap3A_53] {strides = array<i32>} : memref<128x128xf32, #tpu.memory_space<vmem>>, vector<1x16xf32>,
        %swap3A_55 = vector.shape_cast %swap3A_54 : vector<1x16xf32> to vector<16xf32>
        %swap3A_56 = vector.shape_cast %broadcast_in_dim3A_3 : vector<16xf32> to vector<1x16xf32>
        tpu.vector_store %arg8[%swap3A, %swap3A_53], %swap3A_56 {strides = array<i32>} : memref<128x128xf32, #tpu.memory_space<vmem>>, vector<1x16xf32>,
        %scan3A_57 = arith.constant 0 : i32
        scf.yield %scan3A_57 : i32
      }
      %scan3A_48 = arith.constant 8 : i32
      scf.yield %scan3A_47 : i32
    }
    %scan3A_9 = arith.constant 128 : i32
    %scan3A_10 = arith.constant 0 : i32
    %scan3A_11 = arith.constant 0 : i32
    %scan3A_12 = arith.constant 4 : i32
    %scan3A_13 = arith.addi %scan3A_11, %scan3A_12 : i32
    %scan3A_14 = arith.constant 1 : i32
    %scan3A_15 = scf.for %scan3A_40 = %scan3A_11 to %scan3A_13 step %scan3A_14 iter_args(%scan3A_41 = %scan3A_10) -> (i32)  : i32 {
      %mul3A_42 = arith.constant 128 : i32
      %mul3A_43 = arith.muli %scan3A_40, %mul3A_42 : i32
      %add3A_44 = arith.addi %mul3A_2, %mul3A_43 : i32
      "tpu.region"() ({
        %run_scoped3A = tpu.sem_alloc : memref<!tpu.dma_semaphore, #tpu.memory_space<semaphore_mem>>
        %dma_start3A = arith.constant 0 : i32
        %dma_start3A_46 = tpu.memref_slice %arg9[%add3A_44, %dma_start3A] : memref<10112x128xf32, #tpu.memory_space<vmem_shared>> -> memref<128x128xf32, #tpu.memory_space<vmem_shared>>
        %dma_start3A_47 = arith.constant 0 : i32
        %dma_start3A_48 = tpu.memref_slice %arg9[%add3A_44, %dma_start3A_47] : memref<10112x128xf32, #tpu.memory_space<vmem_shared>> -> memref<128x128xf32, #tpu.memory_space<vmem_shared>>
        tpu.enqueue_dma source(%arg8 : memref<128x128xf32, #tpu.memory_space<vmem>>) target(%dma_start3A_48 : memref<128x128xf32, #tpu.memory_space<vmem_shared>>) target_semaphore(%run_scoped3A : memref<!tpu.dma_semaphore, #tpu.memory_space<semaphore_mem>>)
        %dma_wait3A = arith.constant 0 : i32
        %dma_wait3A_49 = tpu.memref_slice %arg9[%add3A_44, %dma_wait3A] : memref<10112x128xf32, #tpu.memory_space<vmem_shared>> -> memref<128x128xf32, #tpu.memory_space<vmem_shared>>
        %dma_wait3A_50 = arith.constant 0 : i32
        %dma_wait3A_51 = tpu.memref_slice %arg9[%add3A_44, %dma_wait3A_50] : memref<10112x128xf32, #tpu.memory_space<vmem_shared>> -> memref<128x128xf32, #tpu.memory_space<vmem_shared>>
        tpu.wait_dma2 semaphore(%run_scoped3A : memref<!tpu.dma_semaphore, #tpu.memory_space<semaphore_mem>>) src(%arg8 : memref<128x128xf32, #tpu.memory_space<vmem>>) dst(%dma_wait3A_51 : memref<128x128xf32, #tpu.memory_space<vmem_shared>>)
        tpu.yield
      }) : () -> ()
      %scan3A_45 = arith.constant 0 : i32
      scf.yield %scan3A_45 : i32
    }
    %scan3A_16 = arith.constant 4 : i32
    %add3A_17 = arith.constant 512 : i32
    %add3A_18 = arith.addi %mul3A_2, %add3A_17 : i32
    "tpu.region"() ({
      %run_scoped3A = tpu.sem_alloc : memref<!tpu.dma_semaphore, #tpu.memory_space<semaphore_mem>>
      %dma_start3A = arith.constant 0 : i32
      %dma_start3A_40 = arith.constant 0 : i32
      %dma_start3A_41 = tpu.memref_slice %arg8[%dma_start3A, %dma_start3A_40] : memref<128x128xf32, #tpu.memory_space<vmem>> -> memref<120x128xf32, #tpu.memory_space<vmem>>
      %dma_start3A_42 = arith.constant 0 : i32
      %dma_start3A_43 = tpu.memref_slice %arg9[%add3A_18, %dma_start3A_42] : memref<10112x128xf32, #tpu.memory_space<vmem_shared>> -> memref<120x128xf32, #tpu.memory_space<vmem_shared>>
      %dma_start3A_44 = arith.constant 0 : i32
      %dma_start3A_45 = tpu.memref_slice %arg9[%add3A_18, %dma_start3A_44] : memref<10112x128xf32, #tpu.memory_space<vmem_shared>> -> memref<120x128xf32, #tpu.memory_space<vmem_shared>>
      %dma_start3A_46 = arith.constant 0 : i32
      %dma_start3A_47 = arith.constant 0 : i32
      %dma_start3A_48 = tpu.memref_slice %arg8[%dma_start3A_46, %dma_start3A_47] : memref<128x128xf32, #tpu.memory_space<vmem>> -> memref<120x128xf32, #tpu.memory_space<vmem>>
      tpu.enqueue_dma source(%dma_start3A_48 : memref<120x128xf32, #tpu.memory_space<vmem>>) target(%dma_start3A_45 : memref<120x128xf32, #tpu.memory_space<vmem_shared>>) target_semaphore(%run_scoped3A : memref<!tpu.dma_semaphore, #tpu.memory_space<semaphore_mem>>)
      %dma_wait3A = arith.constant 0 : i32
      %dma_wait3A_49 = arith.constant 0 : i32
      %dma_wait3A_50 = tpu.memref_slice %arg8[%dma_wait3A, %dma_wait3A_49] : memref<128x128xf32, #tpu.memory_space<vmem>> -> memref<120x128xf32, #tpu.memory_space<vmem>>
      %dma_wait3A_51 = arith.constant 0 : i32
      %dma_wait3A_52 = tpu.memref_slice %arg9[%add3A_18, %dma_wait3A_51] : memref<10112x128xf32, #tpu.memory_space<vmem_shared>> -> memref<120x128xf32, #tpu.memory_space<vmem_shared>>
      %dma_wait3A_53 = arith.constant 0 : i32
      %dma_wait3A_54 = tpu.memref_slice %arg9[%add3A_18, %dma_wait3A_53] : memref<10112x128xf32, #tpu.memory_space<vmem_shared>> -> memref<120x128xf32, #tpu.memory_space<vmem_shared>>
      %dma_wait3A_55 = arith.constant 0 : i32
      %dma_wait3A_56 = arith.constant 0 : i32
      %dma_wait3A_57 = tpu.memref_slice %arg8[%dma_wait3A_55, %dma_wait3A_56] : memref<128x128xf32, #tpu.memory_space<vmem>> -> memref<120x128xf32, #tpu.memory_space<vmem>>
      tpu.wait_dma2 semaphore(%run_scoped3A : memref<!tpu.dma_semaphore, #tpu.memory_space<semaphore_mem>>) src(%dma_wait3A_57 : memref<120x128xf32, #tpu.memory_space<vmem>>) dst(%dma_wait3A_54 : memref<120x128xf32, #tpu.memory_space<vmem_shared>>)
      tpu.yield
    }) : () -> ()
    "tpu.region"() ({
      %run_scoped3A = tpu.sem_alloc : memref<!tpu.dma_semaphore, #tpu.memory_space<semaphore_mem>>
      %dma_start3A = arith.constant 0 : i32
      %dma_start3A_40 = arith.constant 0 : i32
      %dma_start3A_41 = tpu.memref_slice %arg3[%add3A, %dma_start3A, %dma_start3A_40] : memref<32x79x128xi32, #tpu.memory_space<hbm>> -> memref<1x79x128xi32, #tpu.memory_space<hbm>>
      %dma_start3A_42 = tpu.memref_squeeze %dma_start3A_41 : memref<1x79x128xi32, #tpu.memory_space<hbm>> -> memref<79x128xi32, #tpu.memory_space<hbm>>
      %dma_start3A_43 = arith.constant 0 : i32
      %dma_start3A_44 = arith.constant 0 : i32
      %dma_start3A_45 = tpu.memref_slice %arg3[%add3A, %dma_start3A_43, %dma_start3A_44] : memref<32x79x128xi32, #tpu.memory_space<hbm>> -> memref<1x79x128xi32, #tpu.memory_space<hbm>>
      %dma_start3A_46 = tpu.memref_squeeze %dma_start3A_45 : memref<1x79x128xi32, #tpu.memory_space<hbm>> -> memref<79x128xi32, #tpu.memory_space<hbm>>
      tpu.enqueue_dma source(%dma_start3A_46 : memref<79x128xi32, #tpu.memory_space<hbm>>) target(%arg6 : memref<79x128xi32, #tpu.memory_space<vmem>>) target_semaphore(%run_scoped3A : memref<!tpu.dma_semaphore, #tpu.memory_space<semaphore_mem>>)
      %dma_wait3A = arith.constant 0 : i32
      %dma_wait3A_47 = arith.constant 0 : i32
      %dma_wait3A_48 = tpu.memref_slice %arg3[%add3A, %dma_wait3A, %dma_wait3A_47] : memref<32x79x128xi32, #tpu.memory_space<hbm>> -> memref<1x79x128xi32, #tpu.memory_space<hbm>>
      %dma_wait3A_49 = tpu.memref_squeeze %dma_wait3A_48 : memref<1x79x128xi32, #tpu.memory_space<hbm>> -> memref<79x128xi32, #tpu.memory_space<hbm>>
      %dma_wait3A_50 = arith.constant 0 : i32
      %dma_wait3A_51 = arith.constant 0 : i32
      %dma_wait3A_52 = tpu.memref_slice %arg3[%add3A, %dma_wait3A_50, %dma_wait3A_51] : memref<32x79x128xi32, #tpu.memory_space<hbm>> -> memref<1x79x128xi32, #tpu.memory_space<hbm>>
      %dma_wait3A_53 = tpu.memref_squeeze %dma_wait3A_52 : memref<1x79x128xi32, #tpu.memory_space<hbm>> -> memref<79x128xi32, #tpu.memory_space<hbm>>
      tpu.wait_dma2 semaphore(%run_scoped3A : memref<!tpu.dma_semaphore, #tpu.memory_space<semaphore_mem>>) src(%dma_wait3A_53 : memref<79x128xi32, #tpu.memory_space<hbm>>) dst(%arg6 : memref<79x128xi32, #tpu.memory_space<vmem>>)
      tpu.yield
    }) : () -> ()
    "tpu.region"() ({
      %run_scoped3A = tpu.sem_alloc : memref<!tpu.dma_semaphore, #tpu.memory_space<semaphore_mem>>
      %dma_start3A = arith.constant 0 : i32
      %dma_start3A_40 = arith.constant 0 : i32
      %dma_start3A_41 = tpu.memref_slice %arg4[%add3A, %dma_start3A, %dma_start3A_40] : memref<32x79x128xi32, #tpu.memory_space<hbm>> -> memref<1x79x128xi32, #tpu.memory_space<hbm>>
      %dma_start3A_42 = tpu.memref_squeeze %dma_start3A_41 : memref<1x79x128xi32, #tpu.memory_space<hbm>> -> memref<79x128xi32, #tpu.memory_space<hbm>>
      %dma_start3A_43 = arith.constant 0 : i32
      %dma_start3A_44 = arith.constant 0 : i32
      %dma_start3A_45 = tpu.memref_slice %arg4[%add3A, %dma_start3A_43, %dma_start3A_44] : memref<32x79x128xi32, #tpu.memory_space<hbm>> -> memref<1x79x128xi32, #tpu.memory_space<hbm>>
      %dma_start3A_46 = tpu.memref_squeeze %dma_start3A_45 : memref<1x79x128xi32, #tpu.memory_space<hbm>> -> memref<79x128xi32, #tpu.memory_space<hbm>>
      tpu.enqueue_dma source(%dma_start3A_46 : memref<79x128xi32, #tpu.memory_space<hbm>>) target(%arg7 : memref<79x128xi32, #tpu.memory_space<vmem>>) target_semaphore(%run_scoped3A : memref<!tpu.dma_semaphore, #tpu.memory_space<semaphore_mem>>)
      %dma_wait3A = arith.constant 0 : i32
      %dma_wait3A_47 = arith.constant 0 : i32
      %dma_wait3A_48 = tpu.memref_slice %arg4[%add3A, %dma_wait3A, %dma_wait3A_47] : memref<32x79x128xi32, #tpu.memory_space<hbm>> -> memref<1x79x128xi32, #tpu.memory_space<hbm>>
      %dma_wait3A_49 = tpu.memref_squeeze %dma_wait3A_48 : memref<1x79x128xi32, #tpu.memory_space<hbm>> -> memref<79x128xi32, #tpu.memory_space<hbm>>
      %dma_wait3A_50 = arith.constant 0 : i32
      %dma_wait3A_51 = arith.constant 0 : i32
      %dma_wait3A_52 = tpu.memref_slice %arg4[%add3A, %dma_wait3A_50, %dma_wait3A_51] : memref<32x79x128xi32, #tpu.memory_space<hbm>> -> memref<1x79x128xi32, #tpu.memory_space<hbm>>
      %dma_wait3A_53 = tpu.memref_squeeze %dma_wait3A_52 : memref<1x79x128xi32, #tpu.memory_space<hbm>> -> memref<79x128xi32, #tpu.memory_space<hbm>>
      tpu.wait_dma2 semaphore(%run_scoped3A : memref<!tpu.dma_semaphore, #tpu.memory_space<semaphore_mem>>) src(%dma_wait3A_53 : memref<79x128xi32, #tpu.memory_space<hbm>>) dst(%arg7 : memref<79x128xi32, #tpu.memory_space<vmem>>)
      tpu.yield
    }) : () -> ()
    %barrier3A = arith.constant 0 : index
    tpu.barrier barrier_id(%barrier3A)
    %scan3A_19 = arith.constant 0 : i32
    %scan3A_20 = arith.constant 0 : i32
    %scan3A_21 = arith.constant 78 : i32
    %scan3A_22 = arith.addi %scan3A_20, %scan3A_21 : i32
    %scan3A_23 = arith.constant 1 : i32
    %scan3A_24 = scf.for %scan3A_40 = %scan3A_20 to %scan3A_22 step %scan3A_23 iter_args(%scan3A_41 = %scan3A_19) -> (i32)  : i32 {
      %dma_start3A = arith.constant 0 : i32
      %dma_start3A_42 = tpu.memref_slice %arg6[%scan3A_40, %dma_start3A] : memref<79x128xi32, #tpu.memory_space<vmem>> -> memref<1x128xi32, #tpu.memory_space<vmem>>
      %dma_start3A_43 = tpu.memref_squeeze %dma_start3A_42 : memref<1x128xi32, #tpu.memory_space<vmem>> -> memref<128xi32, #tpu.memory_space<vmem>>
      %dma_start3A_44 = arith.constant 0 : i32
      %dma_start3A_45 = arith.constant 0 : i32
      %dma_start3A_46 = tpu.memref_slice %arg2[%dma_start3A_44, %dma_start3A_45] : memref<10000x128xf32, #tpu.memory_space<hbm>> -> memref<10000x128xf32, #tpu.memory_space<hbm>>
      tpu.enqueue_indirect_dma source(%dma_start3A_46 : memref<10000x128xf32, #tpu.memory_space<hbm>>) target(%arg8 : memref<128x128xf32, #tpu.memory_space<vmem>>) offsets(%dma_start3A_43 : memref<128xi32, #tpu.memory_space<vmem>>) semaphore(%arg10 : memref<!tpu.dma_semaphore, #tpu.memory_space<semaphore_mem>>)
      %dma_wait3A = arith.constant 0 : i32
      %dma_wait3A_47 = tpu.memref_slice %arg6[%scan3A_40, %dma_wait3A] : memref<79x128xi32, #tpu.memory_space<vmem>> -> memref<1x128xi32, #tpu.memory_space<vmem>>
      %dma_wait3A_48 = tpu.memref_squeeze %dma_wait3A_47 : memref<1x128xi32, #tpu.memory_space<vmem>> -> memref<128xi32, #tpu.memory_space<vmem>>
      %dma_wait3A_49 = arith.constant 0 : i32
      %dma_wait3A_50 = arith.constant 0 : i32
      %dma_wait3A_51 = tpu.memref_slice %arg2[%dma_wait3A_49, %dma_wait3A_50] : memref<10000x128xf32, #tpu.memory_space<hbm>> -> memref<10000x128xf32, #tpu.memory_space<hbm>>
      tpu.wait_indirect_dma semaphore(%arg10 : memref<!tpu.dma_semaphore, #tpu.memory_space<semaphore_mem>>) src(%dma_wait3A_51 : memref<10000x128xf32, #tpu.memory_space<hbm>>) dst(%arg8 : memref<128x128xf32, #tpu.memory_space<vmem>>)
      "tpu.region"() ({
        %run_scoped3A = tpu.sem_alloc : memref<!tpu.dma_semaphore, #tpu.memory_space<semaphore_mem>>
        %dma_start3A_53 = arith.constant 0 : i32
        %dma_start3A_54 = tpu.memref_slice %arg7[%scan3A_40, %dma_start3A_53] : memref<79x128xi32, #tpu.memory_space<vmem>> -> memref<1x128xi32, #tpu.memory_space<vmem>>
        %dma_start3A_55 = tpu.memref_squeeze %dma_start3A_54 : memref<1x128xi32, #tpu.memory_space<vmem>> -> memref<128xi32, #tpu.memory_space<vmem>>
        %dma_start3A_56 = arith.constant 0 : i32
        %dma_start3A_57 = arith.constant 0 : i32
        %dma_start3A_58 = tpu.memref_slice %arg9[%dma_start3A_56, %dma_start3A_57] : memref<10112x128xf32, #tpu.memory_space<vmem_shared>> -> memref<10112x128xf32, #tpu.memory_space<vmem_shared>>
        tpu.enqueue_indirect_dma source(%arg8 : memref<128x128xf32, #tpu.memory_space<vmem>>) target(%dma_start3A_58 : memref<10112x128xf32, #tpu.memory_space<vmem_shared>>) offsets(%dma_start3A_55 : memref<128xi32, #tpu.memory_space<vmem>>) semaphore(%run_scoped3A : memref<!tpu.dma_semaphore, #tpu.memory_space<semaphore_mem>>) {add = true}
        %dma_wait3A_59 = arith.constant 0 : i32
        %dma_wait3A_60 = tpu.memref_slice %arg7[%scan3A_40, %dma_wait3A_59] : memref<79x128xi32, #tpu.memory_space<vmem>> -> memref<1x128xi32, #tpu.memory_space<vmem>>
        %dma_wait3A_61 = tpu.memref_squeeze %dma_wait3A_60 : memref<1x128xi32, #tpu.memory_space<vmem>> -> memref<128xi32, #tpu.memory_space<vmem>>
        %dma_wait3A_62 = arith.constant 0 : i32
        %dma_wait3A_63 = arith.constant 0 : i32
        %dma_wait3A_64 = tpu.memref_slice %arg9[%dma_wait3A_62, %dma_wait3A_63] : memref<10112x128xf32, #tpu.memory_space<vmem_shared>> -> memref<10112x128xf32, #tpu.memory_space<vmem_shared>>
        tpu.wait_indirect_dma semaphore(%run_scoped3A : memref<!tpu.dma_semaphore, #tpu.memory_space<semaphore_mem>>) src(%arg8 : memref<128x128xf32, #tpu.memory_space<vmem>>) dst(%dma_wait3A_64 : memref<10112x128xf32, #tpu.memory_space<vmem_shared>>)
        tpu.yield
      }) : () -> ()
      %scan3A_52 = arith.constant 0 : i32
      scf.yield %scan3A_52 : i32
    }
    %scan3A_25 = arith.constant 78 : i32
    %ne3A = arith.constant 0 : i32
    %ne3A_26 = arith.cmpi ne, %arg0, %ne3A : i32
    %convert_element_type3A = arith.extui %ne3A_26 : i1 to i32
    %cond3A = arith.constant 0 : i32
    %cond3A_27 = arith.cmpi ne, %convert_element_type3A, %cond3A : i32
    scf.if %cond3A_27 {
      %scan3A_40 = arith.constant 0 : i32
      %scan3A_41 = arith.constant 78 : i32
      %dma_start3A = arith.constant 0 : i32
      %dma_start3A_42 = tpu.memref_slice %arg6[%scan3A_41, %dma_start3A] : memref<79x128xi32, #tpu.memory_space<vmem>> -> memref<1x128xi32, #tpu.memory_space<vmem>>
      %dma_start3A_43 = tpu.memref_squeeze %dma_start3A_42 : memref<1x128xi32, #tpu.memory_space<vmem>> -> memref<128xi32, #tpu.memory_space<vmem>>
      %dma_start3A_44 = arith.constant 0 : i32
      %dma_start3A_45 = arith.constant 0 : i32
      %dma_start3A_46 = tpu.memref_slice %arg2[%dma_start3A_44, %dma_start3A_45] : memref<10000x128xf32, #tpu.memory_space<hbm>> -> memref<10000x128xf32, #tpu.memory_space<hbm>>
      tpu.enqueue_indirect_dma source(%dma_start3A_46 : memref<10000x128xf32, #tpu.memory_space<hbm>>) target(%arg8 : memref<128x128xf32, #tpu.memory_space<vmem>>) offsets(%dma_start3A_43 : memref<128xi32, #tpu.memory_space<vmem>>) semaphore(%arg10 : memref<!tpu.dma_semaphore, #tpu.memory_space<semaphore_mem>>)
      %dma_wait3A = arith.constant 0 : i32
      %dma_wait3A_47 = tpu.memref_slice %arg6[%scan3A_41, %dma_wait3A] : memref<79x128xi32, #tpu.memory_space<vmem>> -> memref<1x128xi32, #tpu.memory_space<vmem>>
      %dma_wait3A_48 = tpu.memref_squeeze %dma_wait3A_47 : memref<1x128xi32, #tpu.memory_space<vmem>> -> memref<128xi32, #tpu.memory_space<vmem>>
      %dma_wait3A_49 = arith.constant 0 : i32
      %dma_wait3A_50 = arith.constant 0 : i32
      %dma_wait3A_51 = tpu.memref_slice %arg2[%dma_wait3A_49, %dma_wait3A_50] : memref<10000x128xf32, #tpu.memory_space<hbm>> -> memref<10000x128xf32, #tpu.memory_space<hbm>>
      tpu.wait_indirect_dma semaphore(%arg10 : memref<!tpu.dma_semaphore, #tpu.memory_space<semaphore_mem>>) src(%dma_wait3A_51 : memref<10000x128xf32, #tpu.memory_space<hbm>>) dst(%arg8 : memref<128x128xf32, #tpu.memory_space<vmem>>)
      "tpu.region"() ({
        %run_scoped3A = tpu.sem_alloc : memref<!tpu.dma_semaphore, #tpu.memory_space<semaphore_mem>>
        %dma_start3A_54 = arith.constant 0 : i32
        %dma_start3A_55 = tpu.memref_slice %arg7[%scan3A_41, %dma_start3A_54] : memref<79x128xi32, #tpu.memory_space<vmem>> -> memref<1x128xi32, #tpu.memory_space<vmem>>
        %dma_start3A_56 = tpu.memref_squeeze %dma_start3A_55 : memref<1x128xi32, #tpu.memory_space<vmem>> -> memref<128xi32, #tpu.memory_space<vmem>>
        %dma_start3A_57 = arith.constant 0 : i32
        %dma_start3A_58 = arith.constant 0 : i32
        %dma_start3A_59 = tpu.memref_slice %arg9[%dma_start3A_57, %dma_start3A_58] : memref<10112x128xf32, #tpu.memory_space<vmem_shared>> -> memref<10112x128xf32, #tpu.memory_space<vmem_shared>>
        tpu.enqueue_indirect_dma source(%arg8 : memref<128x128xf32, #tpu.memory_space<vmem>>) target(%dma_start3A_59 : memref<10112x128xf32, #tpu.memory_space<vmem_shared>>) offsets(%dma_start3A_56 : memref<128xi32, #tpu.memory_space<vmem>>) semaphore(%run_scoped3A : memref<!tpu.dma_semaphore, #tpu.memory_space<semaphore_mem>>) {add = true}
        %dma_wait3A_60 = arith.constant 0 : i32
        %dma_wait3A_61 = tpu.memref_slice %arg7[%scan3A_41, %dma_wait3A_60] : memref<79x128xi32, #tpu.memory_space<vmem>> -> memref<1x128xi32, #tpu.memory_space<vmem>>
        %dma_wait3A_62 = tpu.memref_squeeze %dma_wait3A_61 : memref<1x128xi32, #tpu.memory_space<vmem>> -> memref<128xi32, #tpu.memory_space<vmem>>
        %dma_wait3A_63 = arith.constant 0 : i32
        %dma_wait3A_64 = arith.constant 0 : i32
        %dma_wait3A_65 = tpu.memref_slice %arg9[%dma_wait3A_63, %dma_wait3A_64] : memref<10112x128xf32, #tpu.memory_space<vmem_shared>> -> memref<10112x128xf32, #tpu.memory_space<vmem_shared>>
        tpu.wait_indirect_dma semaphore(%run_scoped3A : memref<!tpu.dma_semaphore, #tpu.memory_space<semaphore_mem>>) src(%arg8 : memref<128x128xf32, #tpu.memory_space<vmem>>) dst(%dma_wait3A_65 : memref<10112x128xf32, #tpu.memory_space<vmem_shared>>)
        tpu.yield
      }) : () -> ()
      %scan3A_52 = arith.constant 0 : i32
      %scan3A_53 = arith.constant 1 : i32
    } else {
    }
    %barrier3A_28 = arith.constant 0 : index
    tpu.barrier barrier_id(%barrier3A_28)
    %scan3A_29 = arith.constant 0 : i32
    %scan3A_30 = arith.constant 0 : i32
    %scan3A_31 = arith.constant 4 : i32
    %scan3A_32 = arith.addi %scan3A_30, %scan3A_31 : i32
    %scan3A_33 = arith.constant 1 : i32
    %scan3A_34 = scf.for %scan3A_40 = %scan3A_30 to %scan3A_32 step %scan3A_33 iter_args(%scan3A_41 = %scan3A_29) -> (i32)  : i32 {
      %mul3A_42 = arith.constant 128 : i32
      %mul3A_43 = arith.muli %scan3A_40, %mul3A_42 : i32
      %add3A_44 = arith.addi %mul3A_2, %mul3A_43 : i32
      %mul3A_45 = arith.constant 128 : i32
      %mul3A_46 = arith.muli %scan3A_40, %mul3A_45 : i32
      %add3A_47 = arith.addi %mul3A_2, %mul3A_46 : i32
      "tpu.region"() ({
        %run_scoped3A = tpu.sem_alloc : memref<!tpu.dma_semaphore, #tpu.memory_space<semaphore_mem>>
        %dma_start3A = arith.constant 0 : i32
        %dma_start3A_49 = tpu.memref_slice %arg5[%arg0, %add3A_47, %dma_start3A] : memref<2x10112x128xf32, #tpu.memory_space<hbm>> -> memref<1x128x128xf32, #tpu.memory_space<hbm>>
        %dma_start3A_50 = tpu.memref_squeeze %dma_start3A_49 : memref<1x128x128xf32, #tpu.memory_space<hbm>> -> memref<128x128xf32, #tpu.memory_space<hbm>>
        %dma_start3A_51 = arith.constant 0 : i32
        %dma_start3A_52 = tpu.memref_slice %arg9[%add3A_44, %dma_start3A_51] : memref<10112x128xf32, #tpu.memory_space<vmem_shared>> -> memref<128x128xf32, #tpu.memory_space<vmem_shared>>
        tpu.enqueue_dma source(%dma_start3A_52 : memref<128x128xf32, #tpu.memory_space<vmem_shared>>) target(%dma_start3A_50 : memref<128x128xf32, #tpu.memory_space<hbm>>) target_semaphore(%run_scoped3A : memref<!tpu.dma_semaphore, #tpu.memory_space<semaphore_mem>>)
        %dma_wait3A = arith.constant 0 : i32
        %dma_wait3A_53 = tpu.memref_slice %arg5[%arg0, %add3A_47, %dma_wait3A] : memref<2x10112x128xf32, #tpu.memory_space<hbm>> -> memref<1x128x128xf32, #tpu.memory_space<hbm>>
        %dma_wait3A_54 = tpu.memref_squeeze %dma_wait3A_53 : memref<1x128x128xf32, #tpu.memory_space<hbm>> -> memref<128x128xf32, #tpu.memory_space<hbm>>
        %dma_wait3A_55 = arith.constant 0 : i32
        %dma_wait3A_56 = tpu.memref_slice %arg9[%add3A_44, %dma_wait3A_55] : memref<10112x128xf32, #tpu.memory_space<vmem_shared>> -> memref<128x128xf32, #tpu.memory_space<vmem_shared>>
        tpu.wait_dma2 semaphore(%run_scoped3A : memref<!tpu.dma_semaphore, #tpu.memory_space<semaphore_mem>>) src(%dma_wait3A_56 : memref<128x128xf32, #tpu.memory_space<vmem_shared>>) dst(%dma_wait3A_54 : memref<128x128xf32, #tpu.memory_space<hbm>>)
        tpu.yield
      }) : () -> ()
      %scan3A_48 = arith.constant 0 : i32
      scf.yield %scan3A_48 : i32
    }
    %scan3A_35 = arith.constant 4 : i32
    %add3A_36 = arith.constant 512 : i32
    %add3A_37 = arith.addi %mul3A_2, %add3A_36 : i32
    %add3A_38 = arith.constant 512 : i32
    %add3A_39 = arith.addi %mul3A_2, %add3A_38 : i32
    "tpu.region"() ({
      %run_scoped3A = tpu.sem_alloc : memref<!tpu.dma_semaphore, #tpu.memory_space<semaphore_mem>>
      %dma_start3A = arith.constant 0 : i32
      %dma_start3A_40 = tpu.memref_slice %arg5[%arg0, %add3A_39, %dma_start3A] : memref<2x10112x128xf32, #tpu.memory_space<hbm>> -> memref<1x120x128xf32, #tpu.memory_space<hbm>>
      %dma_start3A_41 = tpu.memref_squeeze %dma_start3A_40 : memref<1x120x128xf32, #tpu.memory_space<hbm>> -> memref<120x128xf32, #tpu.memory_space<hbm>>
      %dma_start3A_42 = arith.constant 0 : i32
      %dma_start3A_43 = tpu.memref_slice %arg9[%add3A_37, %dma_start3A_42] : memref<10112x128xf32, #tpu.memory_space<vmem_shared>> -> memref<120x128xf32, #tpu.memory_space<vmem_shared>>
      tpu.enqueue_dma source(%dma_start3A_43 : memref<120x128xf32, #tpu.memory_space<vmem_shared>>) target(%dma_start3A_41 : memref<120x128xf32, #tpu.memory_space<hbm>>) target_semaphore(%run_scoped3A : memref<!tpu.dma_semaphore, #tpu.memory_space<semaphore_mem>>)
      %dma_wait3A = arith.constant 0 : i32
      %dma_wait3A_44 = tpu.memref_slice %arg5[%arg0, %add3A_39, %dma_wait3A] : memref<2x10112x128xf32, #tpu.memory_space<hbm>> -> memref<1x120x128xf32, #tpu.memory_space<hbm>>
      %dma_wait3A_45 = tpu.memref_squeeze %dma_wait3A_44 : memref<1x120x128xf32, #tpu.memory_space<hbm>> -> memref<120x128xf32, #tpu.memory_space<hbm>>
      %dma_wait3A_46 = arith.constant 0 : i32
      %dma_wait3A_47 = tpu.memref_slice %arg9[%add3A_37, %dma_wait3A_46] : memref<10112x128xf32, #tpu.memory_space<vmem_shared>> -> memref<120x128xf32, #tpu.memory_space<vmem_shared>>
      tpu.wait_dma2 semaphore(%run_scoped3A : memref<!tpu.dma_semaphore, #tpu.memory_space<semaphore_mem>>) src(%dma_wait3A_47 : memref<120x128xf32, #tpu.memory_space<vmem_shared>>) dst(%dma_wait3A_45 : memref<120x128xf32, #tpu.memory_space<hbm>>)
      tpu.yield
    }) : () -> ()
    return
  }
}

module attributes {stable_mosaic.version = 14 : i64} {
  func.func @_tc_mid_body(%arg0: memref<2x10112x128xf32, #tpu.memory_space<vmem>>, %arg1: memref<10000x64xf32, #tpu.memory_space<vmem>>, %arg2: memref<64x64xf32, #tpu.memory_space<vmem>>, %arg3: memref<64x64xf32, #tpu.memory_space<vmem>>, %arg4: memref<1x64xf32, #tpu.memory_space<vmem>>, %arg5: memref<10000x128xf32, #tpu.memory_space<vmem>>, %arg6: memref<10000x64xf32, #tpu.memory_space<vmem>>) attributes {dimension_semantics = [], scalar_prefetch = 0 : i64, scratch_operands = 0 : i64, tpu.core_type = #tpu.core_type<tc>} {
    %get3A = arith.constant 0 : index
    %get3A_0 = arith.constant 0 : index
    %get3A_1 = arith.constant 0 : index
    %get3A_2 = vector.load %arg0[%get3A, %get3A_0, %get3A_1] : memref<2x10112x128xf32, #tpu.memory_space<vmem>>, vector<1x10112x128xf32>
    %get3A_3 = vector.shape_cast %get3A_2 : vector<1x10112x128xf32> to vector<10112x128xf32>
    %get3A_4 = arith.constant 1 : index
    %get3A_5 = arith.constant 0 : index
    %get3A_6 = arith.constant 0 : index
    %get3A_7 = vector.load %arg0[%get3A_4, %get3A_5, %get3A_6] : memref<2x10112x128xf32, #tpu.memory_space<vmem>>, vector<1x10112x128xf32>
    %get3A_8 = vector.shape_cast %get3A_7 : vector<1x10112x128xf32> to vector<10112x128xf32>
    %add3A = arith.addf %get3A_3, %get3A_8 : vector<10112x128xf32>
    %slice3A = vector.extract_strided_slice %add3A {offsets = [0, 0], sizes = [10000, 128], strides = [1, 1]} : vector<10112x128xf32> to vector<10000x128xf32>
    %slice3A_9 = vector.extract_strided_slice %slice3A {offsets = [0, 64], sizes = [10000, 1], strides = [1, 1]} : vector<10000x128xf32> to vector<10000x1xf32>
    %squeeze3A = vector.shape_cast %slice3A_9 : vector<10000x1xf32> to vector<10000xf32>
    %max3A = arith.constant 1.000000e+00 : f32
    %max3A_10 = vector.broadcast %max3A : f32 to vector<10000xf32>
    %max3A_11 = arith.maximumf %squeeze3A, %max3A_10 : vector<10000xf32>
    %div3A = arith.constant 1.000000e+00 : f32
    %div3A_12 = vector.broadcast %div3A : f32 to vector<10000xf32>
    %div3A_13 = arith.divf %div3A_12, %max3A_11 : vector<10000xf32>
    %slice3A_14 = vector.extract_strided_slice %slice3A {offsets = [0, 0], sizes = [10000, 64], strides = [1, 1]} : vector<10000x128xf32> to vector<10000x64xf32>
    %broadcast_in_dim3A = vector.shape_cast %div3A_13 : vector<10000xf32> to vector<10000x1xf32>
    %mul3A = vector.broadcast %broadcast_in_dim3A : vector<10000x1xf32> to vector<10000x64xf32>
    %mul3A_15 = arith.mulf %slice3A_14, %mul3A : vector<10000x64xf32>
    %get3A_16 = arith.constant 0 : index
    %get3A_17 = arith.constant 0 : index
    %get3A_18 = vector.load %arg1[%get3A_16, %get3A_17] : memref<10000x64xf32, #tpu.memory_space<vmem>>, vector<10000x64xf32>
    %add3A_19 = arith.addf %mul3A_15, %get3A_18 : vector<10000x64xf32>
    %max3A_20 = arith.constant 0.000000e+00 : f32
    %max3A_21 = vector.broadcast %max3A_20 : f32 to vector<10000x64xf32>
    %max3A_22 = arith.maximumf %add3A_19, %max3A_21 : vector<10000x64xf32>
    %get3A_23 = arith.constant 0 : index
    %get3A_24 = arith.constant 0 : index
    %get3A_25 = vector.load %arg2[%get3A_23, %get3A_24] : memref<64x64xf32, #tpu.memory_space<vmem>>, vector<64x64xf32>
    %dot_general3A = arith.constant dense<0.000000e+00> : vector<10000x64xf32>
    %dot_general3A_26 = tpu.matmul %max3A_22, %get3A_25, %dot_general3A {dimension_numbers = #tpu.dot_dimension_numbers<[1], [0], [0], [1], [0, 0, 1, 1], [], []>, transpose_lhs_hint = false} : vector<10000x64xf32>, vector<64x64xf32>, vector<10000x64xf32> -> vector<10000x64xf32>
    %broadcast_in_dim3A_27 = arith.constant 1.000000e+00 : f32
    %broadcast_in_dim3A_28 = vector.broadcast %broadcast_in_dim3A_27 : f32 to vector<10000x1xf32>
    %broadcast_in_dim3A_29 = arith.constant 0.000000e+00 : f32
    %broadcast_in_dim3A_30 = vector.broadcast %broadcast_in_dim3A_29 : f32 to vector<10000x63xf32>
    %concatenate3A = tpu.concatenate %dot_general3A_26, %broadcast_in_dim3A_28, %broadcast_in_dim3A_30 in 1 : vector<10000x64xf32>, vector<10000x1xf32>, vector<10000x63xf32> -> vector<10000x128xf32>
    %swap3A = arith.constant 0 : index
    %swap3A_31 = arith.constant 0 : index
    %swap3A_32 = vector.load %arg5[%swap3A, %swap3A_31] : memref<10000x128xf32, #tpu.memory_space<vmem>>, vector<10000x128xf32>
    tpu.vector_store %arg5[%swap3A, %swap3A_31], %concatenate3A {strides = array<i32>} : memref<10000x128xf32, #tpu.memory_space<vmem>>, vector<10000x128xf32>,
    %get3A_33 = arith.constant 0 : index
    %get3A_34 = arith.constant 0 : index
    %get3A_35 = vector.load %arg3[%get3A_33, %get3A_34] : memref<64x64xf32, #tpu.memory_space<vmem>>, vector<64x64xf32>
    %dot_general3A_36 = arith.constant dense<0.000000e+00> : vector<10000x64xf32>
    %dot_general3A_37 = tpu.matmul %max3A_22, %get3A_35, %dot_general3A_36 {dimension_numbers = #tpu.dot_dimension_numbers<[1], [0], [0], [1], [0, 0, 1, 1], [], []>, transpose_lhs_hint = false} : vector<10000x64xf32>, vector<64x64xf32>, vector<10000x64xf32> -> vector<10000x64xf32>
    %get3A_38 = arith.constant 0 : index
    %get3A_39 = arith.constant 0 : index
    %get3A_40 = vector.load %arg4[%get3A_38, %get3A_39] : memref<1x64xf32, #tpu.memory_space<vmem>>, vector<1x64xf32>
    %add3A_41 = vector.broadcast %get3A_40 : vector<1x64xf32> to vector<10000x64xf32>
    %add3A_42 = arith.addf %dot_general3A_37, %add3A_41 : vector<10000x64xf32>
    %swap3A_43 = arith.constant 0 : index
    %swap3A_44 = arith.constant 0 : index
    %swap3A_45 = vector.load %arg6[%swap3A_43, %swap3A_44] : memref<10000x64xf32, #tpu.memory_space<vmem>>, vector<10000x64xf32>
    tpu.vector_store %arg6[%swap3A_43, %swap3A_44], %add3A_42 {strides = array<i32>} : memref<10000x64xf32, #tpu.memory_space<vmem>>, vector<10000x64xf32>,
    return
  }
}

module attributes {stable_mosaic.version = 14 : i64} {
  func.func @_tc_pre_body(%arg0: memref<10000x128xf32, #tpu.memory_space<vmem>>, %arg1: memref<128x64xf32, #tpu.memory_space<vmem>>, %arg2: memref<128x64xf32, #tpu.memory_space<vmem>>, %arg3: memref<1x64xf32, #tpu.memory_space<vmem>>, %arg4: memref<10000x128xf32, #tpu.memory_space<vmem>>, %arg5: memref<10000x64xf32, #tpu.memory_space<vmem>>) attributes {dimension_semantics = [], scalar_prefetch = 0 : i64, scratch_operands = 0 : i64, tpu.core_type = #tpu.core_type<tc>} {
    %get3A = arith.constant 0 : index
    %get3A_0 = arith.constant 0 : index
    %get3A_1 = vector.load %arg0[%get3A, %get3A_0] : memref<10000x128xf32, #tpu.memory_space<vmem>>, vector<10000x128xf32>
    %get3A_2 = arith.constant 0 : index
    %get3A_3 = arith.constant 0 : index
    %get3A_4 = vector.load %arg1[%get3A_2, %get3A_3] : memref<128x64xf32, #tpu.memory_space<vmem>>, vector<128x64xf32>
    %dot_general3A = arith.constant dense<0.000000e+00> : vector<10000x64xf32>
    %dot_general3A_5 = tpu.matmul %get3A_1, %get3A_4, %dot_general3A {dimension_numbers = #tpu.dot_dimension_numbers<[1], [0], [0], [1], [0, 0, 1, 1], [], []>, transpose_lhs_hint = false} : vector<10000x128xf32>, vector<128x64xf32>, vector<10000x64xf32> -> vector<10000x64xf32>
    %broadcast_in_dim3A = arith.constant 1.000000e+00 : f32
    %broadcast_in_dim3A_6 = vector.broadcast %broadcast_in_dim3A : f32 to vector<10000x1xf32>
    %broadcast_in_dim3A_7 = arith.constant 0.000000e+00 : f32
    %broadcast_in_dim3A_8 = vector.broadcast %broadcast_in_dim3A_7 : f32 to vector<10000x63xf32>
    %concatenate3A = tpu.concatenate %dot_general3A_5, %broadcast_in_dim3A_6, %broadcast_in_dim3A_8 in 1 : vector<10000x64xf32>, vector<10000x1xf32>, vector<10000x63xf32> -> vector<10000x128xf32>
    %swap3A = arith.constant 0 : index
    %swap3A_9 = arith.constant 0 : index
    %swap3A_10 = vector.load %arg4[%swap3A, %swap3A_9] : memref<10000x128xf32, #tpu.memory_space<vmem>>, vector<10000x128xf32>
    tpu.vector_store %arg4[%swap3A, %swap3A_9], %concatenate3A {strides = array<i32>} : memref<10000x128xf32, #tpu.memory_space<vmem>>, vector<10000x128xf32>,
    %get3A_11 = arith.constant 0 : index
    %get3A_12 = arith.constant 0 : index
    %get3A_13 = vector.load %arg2[%get3A_11, %get3A_12] : memref<128x64xf32, #tpu.memory_space<vmem>>, vector<128x64xf32>
    %dot_general3A_14 = arith.constant dense<0.000000e+00> : vector<10000x64xf32>
    %dot_general3A_15 = tpu.matmul %get3A_1, %get3A_13, %dot_general3A_14 {dimension_numbers = #tpu.dot_dimension_numbers<[1], [0], [0], [1], [0, 0, 1, 1], [], []>, transpose_lhs_hint = false} : vector<10000x128xf32>, vector<128x64xf32>, vector<10000x64xf32> -> vector<10000x64xf32>
    %get3A_16 = arith.constant 0 : index
    %get3A_17 = arith.constant 0 : index
    %get3A_18 = vector.load %arg3[%get3A_16, %get3A_17] : memref<1x64xf32, #tpu.memory_space<vmem>>, vector<1x64xf32>
    %add3A = vector.broadcast %get3A_18 : vector<1x64xf32> to vector<10000x64xf32>
    %add3A_19 = arith.addf %dot_general3A_15, %add3A : vector<10000x64xf32>
    %swap3A_20 = arith.constant 0 : index
    %swap3A_21 = arith.constant 0 : index
    %swap3A_22 = vector.load %arg5[%swap3A_20, %swap3A_21] : memref<10000x64xf32, #tpu.memory_space<vmem>>, vector<10000x64xf32>
    tpu.vector_store %arg5[%swap3A_20, %swap3A_21], %add3A_19 {strides = array<i32>} : memref<10000x64xf32, #tpu.memory_space<vmem>>, vector<10000x64xf32>,
    return
  }
}

module attributes {stable_mosaic.version = 14 : i64} {
  func.func @_tc_post_body(%arg0: memref<2x10112x128xf32, #tpu.memory_space<vmem>>, %arg1: memref<10000x64xf32, #tpu.memory_space<vmem>>, %arg2: memref<64x1xf32, #tpu.memory_space<vmem>>, %arg3: memref<1x1xf32, #tpu.memory_space<vmem>>, %arg4: memref<10000x1xf32, #tpu.memory_space<vmem>>) attributes {dimension_semantics = [], scalar_prefetch = 0 : i64, scratch_operands = 0 : i64, tpu.core_type = #tpu.core_type<tc>} {
    %get3A = arith.constant 0 : index
    %get3A_0 = arith.constant 0 : index
    %get3A_1 = arith.constant 0 : index
    %get3A_2 = vector.load %arg0[%get3A, %get3A_0, %get3A_1] : memref<2x10112x128xf32, #tpu.memory_space<vmem>>, vector<1x10112x128xf32>
    %get3A_3 = vector.shape_cast %get3A_2 : vector<1x10112x128xf32> to vector<10112x128xf32>
    %get3A_4 = arith.constant 1 : index
    %get3A_5 = arith.constant 0 : index
    %get3A_6 = arith.constant 0 : index
    %get3A_7 = vector.load %arg0[%get3A_4, %get3A_5, %get3A_6] : memref<2x10112x128xf32, #tpu.memory_space<vmem>>, vector<1x10112x128xf32>
    %get3A_8 = vector.shape_cast %get3A_7 : vector<1x10112x128xf32> to vector<10112x128xf32>
    %add3A = arith.addf %get3A_3, %get3A_8 : vector<10112x128xf32>
    %slice3A = vector.extract_strided_slice %add3A {offsets = [0, 0], sizes = [10000, 128], strides = [1, 1]} : vector<10112x128xf32> to vector<10000x128xf32>
    %slice3A_9 = vector.extract_strided_slice %slice3A {offsets = [0, 64], sizes = [10000, 1], strides = [1, 1]} : vector<10000x128xf32> to vector<10000x1xf32>
    %squeeze3A = vector.shape_cast %slice3A_9 : vector<10000x1xf32> to vector<10000xf32>
    %max3A = arith.constant 1.000000e+00 : f32
    %max3A_10 = vector.broadcast %max3A : f32 to vector<10000xf32>
    %max3A_11 = arith.maximumf %squeeze3A, %max3A_10 : vector<10000xf32>
    %div3A = arith.constant 1.000000e+00 : f32
    %div3A_12 = vector.broadcast %div3A : f32 to vector<10000xf32>
    %div3A_13 = arith.divf %div3A_12, %max3A_11 : vector<10000xf32>
    %slice3A_14 = vector.extract_strided_slice %slice3A {offsets = [0, 0], sizes = [10000, 64], strides = [1, 1]} : vector<10000x128xf32> to vector<10000x64xf32>
    %broadcast_in_dim3A = vector.shape_cast %div3A_13 : vector<10000xf32> to vector<10000x1xf32>
    %mul3A = vector.broadcast %broadcast_in_dim3A : vector<10000x1xf32> to vector<10000x64xf32>
    %mul3A_15 = arith.mulf %slice3A_14, %mul3A : vector<10000x64xf32>
    %get3A_16 = arith.constant 0 : index
    %get3A_17 = arith.constant 0 : index
    %get3A_18 = vector.load %arg1[%get3A_16, %get3A_17] : memref<10000x64xf32, #tpu.memory_space<vmem>>, vector<10000x64xf32>
    %add3A_19 = arith.addf %mul3A_15, %get3A_18 : vector<10000x64xf32>
    %max3A_20 = arith.constant 0.000000e+00 : f32
    %max3A_21 = vector.broadcast %max3A_20 : f32 to vector<10000x64xf32>
    %max3A_22 = arith.maximumf %add3A_19, %max3A_21 : vector<10000x64xf32>
    %get3A_23 = arith.constant 0 : index
    %get3A_24 = arith.constant 0 : index
    %get3A_25 = vector.load %arg2[%get3A_23, %get3A_24] : memref<64x1xf32, #tpu.memory_space<vmem>>, vector<64x1xf32>
    %dot_general3A = arith.constant dense<0.000000e+00> : vector<10000x1xf32>
    %dot_general3A_26 = tpu.matmul %max3A_22, %get3A_25, %dot_general3A {dimension_numbers = #tpu.dot_dimension_numbers<[1], [0], [0], [1], [0, 0, 1, 1], [], []>, transpose_lhs_hint = false} : vector<10000x64xf32>, vector<64x1xf32>, vector<10000x1xf32> -> vector<10000x1xf32>
    %get3A_27 = arith.constant 0 : index
    %get3A_28 = arith.constant 0 : index
    %get3A_29 = vector.load %arg3[%get3A_27, %get3A_28] : memref<1x1xf32, #tpu.memory_space<vmem>>, vector<1x1xf32>
    %add3A_30 = vector.broadcast %get3A_29 : vector<1x1xf32> to vector<10000x1xf32>
    %add3A_31 = arith.addf %dot_general3A_26, %add3A_30 : vector<10000x1xf32>
    %swap3A = arith.constant 0 : index
    %swap3A_32 = arith.constant 0 : index
    %swap3A_33 = vector.load %arg4[%swap3A, %swap3A_32] : memref<10000x1xf32, #tpu.memory_space<vmem>>, vector<10000x1xf32>
    tpu.vector_store %arg4[%swap3A, %swap3A_32], %add3A_31 {strides = array<i32>} : memref<10000x1xf32, #tpu.memory_space<vmem>>, vector<10000x1xf32>,
    return
  }
}

</mosaic_0001>

<sc_bundles>
// kernel: kernel.10.cloned.1.call-start
scs
__scs_entry_jumppad:
0x0: {  	(pc) =	sbr.rel $0x88, $3  }
0x1: {  	(tag) =	ssettag $0x0;
	lr =	simm.s32 $0x1  }
0x2: {  	[smem:$0x3F97] =	sst lr;
	_ =	strace $0xD0000000  }
0x3: {  	_ = 	snop  }
0x4: {  	_ = 	snop  }
0x5: {  	_ = 	snop  }
0x6: {  	_ = 	snop  }
0x7: {  	_ = 	snop  }
__scs_overlays_trampoline_lowered:
0x8: {  	[smem:$0x3FA6] =	sst s0  }
0x9: {  	[smem:$0x3FA7] =	sst s1  }
0xa: {  	[smem:$0x3FA8] =	sst s2  }
0xb: {  	[smem:$0x3FA9] =	sst s3  }
0xc: {  	[smem:$0x3FAA] =	sst s4  }
0xd: {  	[smem:$0x3FAB] =	sst s5  }
0xe: {  	[smem:$0x3FAC] =	sst s6  }
0xf: {  	[smem:$0x3FAD] =	sst s7  }
0x10: {  	[smem:$0x3FAE] =	sst s8  }
0x11: {  	[smem:$0x3FAF] =	sst s9;
	s0 =	simm.s32 @!p0 $0x0  }
0x12: {  	s1 =	sld [smem:$0x3F95];
	s0 =	simm.s32 @p0 $0x1  }
0x13: {  	[smem:$0x3FB0] =	sst s0;
	s0 =	simm.s32 @!p1 $0x0  }
0x14: {  	s2 =	sld [smem:$0x3F94];
	s0 =	simm.s32 @p1 $0x1  }
0x15: {  	[smem:$0x3FB1] =	sst s0;
	s0 =	simm.s32 @!p2 $0x0  }
0x16: {  	s3 =	sld [smem:$0x3FDB];
	s0 =	simm.s32 @p2 $0x1  }
0x17: {  	s4 =	simm.s32 $0x1BF5;
	[smem:$0x3FB3] =	sst s0  }
0x18: {  	s0 =	sld [smem:$0x3F96];
	_ =	swait.ge [sflag:s4], $0x0  }
0x19: {  	s7 =	sld [smem:$0x3F97]  }
0x1a: {  	s8 =	sadd.s32 $0xFFFFE003, lr  }
0x1b: {  	s9 =	sadd.s32 $0xFFFFFEF7, lr;
	s5 =	simm.s32 $0xFFFFFFFF;
	p2 =	slt.u32 s8, $0xFFFFF086  }
0x1c: {  	p1 =	slt.u32 s9, $0xF7A;
	s5 =	simm.s32 @!p2 $0x0  }
0x1d: {  	s5 =	simm.s32 @p1 $0x1;
	p0 =	seq.s32 s7, s2  }
0x1e: {  	s7 =	smul.u32 @!p0 $0xF7A, s2;
	p2 =	seq.s32 @!p0 s5, $0x0  }
0x1f: {  	s9 =	smul.u32 $0xF7A, s1;
	s8 =	simm.s32 @!p0 $0x1BF5;
	p2 =	por !p2, p0  }
0x20: {  	[sflag:s8] =	ssyncset.s32 @!p0 $0xFFFFF086;
	s6 =	sadd.s32 @!p0 s3, s7;
	s7 =	simm.s32 @!p0 $0x108  }
0x21: {  	s3 =	sadd.s32 s3, s9;
	s6 =	sadd.s32 @!p0 $0x88, s6;
	s7 =	simm.s32 @p2 $0x1082  }
0x22: {  	[simem:s7], [sflag:s8] =	dma.local @!p0 [hbm:s6], $0xF7A  }
0x23: {  	s9 =	sor.u32 $0xD0000000, s2;
	s6 =	simm.s32 $0x108;
	_ =	swait.ge @!p0 [sflag:s8], $0x0  }
0x24: {  	s3 =	sadd.s32 $0x88, s3;
	s6 =	simm.s32 @!p1 $0x1082;
	[sflag:s4] =	ssyncset.s32 $0xFFFFF086  }
0x25: {  	[simem:s6], [sflag:s4] =	dma.local [hbm:s3], $0xF7A  }
0x26: {  	[smem:$0x3F97] =	sst s1;
	(tag) =	ssettag s2;
	_ =	strace s9  }
0x27: {  	s1 =	sld [smem:$0x3FA7]  }
0x28: {  	s2 =	sld [smem:$0x3FA8]  }
0x29: {  	s4 =	sld [smem:$0x3FAA]  }
0x2a: {  	p0 =	seq.s32 s5, $0x0;
	s5 =	sld [smem:$0x3FAB]  }
0x2b: {  	s6 =	sld [smem:$0x3FAC]  }
0x2c: {  	s7 =	sld [smem:$0x3FAD]  }
0x2d: {  	s3 =	simm.s32 $0x108;
	s8 =	sld [smem:$0x3FAE]  }
0x2e: {  	s3 =	simm.s32 @!p0 $0x1082;
	s9 =	sld [smem:$0x3FAF]  }
0x2f: {  	lr =	sadd.s32 s0, s3;
	s0 =	sld [smem:$0x3FA6]  }
0x30: {  	s3 =	sld [smem:$0x3FA9]  }
0x31: {  	[smem:$0x3FB2] =	sst s10  }
0x32: {  	s10 =	sld [smem:$0x3FB0];
	_ =	sdelay $0x3  }
0x33: {  	p0 =	seq.s32 s10, $0x1;
	s10 =	sld [smem:$0x3FB2];
	_ =	sdelay $0x3  }
0x34: {  	[smem:$0x3FB2] =	sst s10  }
0x35: {  	s10 =	sld [smem:$0x3FB1];
	_ =	sdelay $0x3  }
0x36: {  	p1 =	seq.s32 s10, $0x1;
	s10 =	sld [smem:$0x3FB2];
	_ =	sdelay $0x3  }
0x37: {  	[smem:$0x3FB2] =	sst s10  }
0x38: {  	s10 =	sld [smem:$0x3FB3]  }
0x39: {  	_ = 	snop;
	(pc) =	sbr.ind lr, $3  }
0x3a: {  	_ = 	snop  }
0x3b: {  	_ = 	snop  }
0x3c: {  	p2 =	seq.s32 s10, $0x1;
	s10 =	sld [smem:$0x3FB2]  }
0x3d: {  	_ =	shalt  }
0x3e: {  	_ =	shalt  }
0x3f: {  	_ =	shalt  }
0x40: {  	_ =	shalt  }
0x41: {  	_ =	shalt  }
0x42: {  	_ =	shalt  }
0x43: {  	_ =	shalt  }
0x44: {  	_ =	shalt  }
0x45: {  	_ =	shalt  }
0x46: {  	_ =	shalt  }
0x47: {  	_ =	shalt  }
0x48: {  	_ =	shalt  }
0x49: {  	_ =	shalt  }
0x4a: {  	_ =	shalt  }
0x4b: {  	_ =	shalt  }
0x4c: {  	_ =	shalt  }
0x4d: {  	_ =	shalt  }
0x4e: {  	_ =	shalt  }
0x4f: {  	_ =	shalt  }
0x50: {  	_ =	shalt  }
0x51: {  	_ =	shalt  }
0x52: {  	_ =	shalt  }
0x53: {  	_ =	shalt  }
0x54: {  	_ =	shalt  }
0x55: {  	_ =	shalt  }
0x56: {  	_ =	shalt  }
0x57: {  	_ =	shalt  }
0x58: {  	_ =	shalt  }
0x59: {  	_ =	shalt  }
0x5a: {  	_ =	shalt  }
0x5b: {  	_ =	shalt  }
0x5c: {  	_ =	shalt  }
0x5d: {  	_ =	shalt  }
0x5e: {  	_ =	shalt  }
0x5f: {  	_ =	shalt  }
0x60: {  	_ =	shalt  }
0x61: {  	_ =	shalt  }
0x62: {  	_ =	shalt  }
0x63: {  	_ =	shalt  }
0x64: {  	_ =	shalt  }
0x65: {  	_ =	shalt  }
0x66: {  	_ =	shalt  }
0x67: {  	_ =	shalt  }
0x68: {  	_ =	shalt  }
0x69: {  	_ =	shalt  }
0x6a: {  	_ =	shalt  }
0x6b: {  	_ =	shalt  }
0x6c: {  	_ =	shalt  }
0x6d: {  	_ =	shalt  }
0x6e: {  	_ =	shalt  }
0x6f: {  	_ =	shalt  }
0x70: {  	_ =	shalt  }
0x71: {  	_ =	shalt  }
0x72: {  	_ =	shalt  }
0x73: {  	_ =	shalt  }
0x74: {  	_ =	shalt  }
0x75: {  	_ =	shalt  }
0x76: {  	_ =	shalt  }
0x77: {  	_ =	shalt  }
0x78: {  	_ =	shalt  }
0x79: {  	_ =	shalt  }
0x7a: {  	_ =	shalt  }
0x7b: {  	_ =	shalt  }
0x7c: {  	_ =	shalt  }
0x7d: {  	_ =	shalt  }
0x7e: {  	_ =	shalt  }
0x7f: {  	_ =	shalt  }
0x80: {  	_ =	shalt  }
0x81: {  	_ =	shalt  }
0x82: {  	_ =	shalt  }
0x83: {  	_ =	shalt  }
0x84: {  	_ =	shalt  }
0x85: {  	_ =	shalt  }
0x86: {  	_ =	shalt  }
0x87: {  	_ =	shalt  }
.Lfunc_end0:
.L_simem_size_0:
called_computation.1_lowered:
.L_overlay_start_0:
0x88: {  	s2 =	sld [smem:$0x3FD9]  }
0x89: {  	s3 =	sld [smem:$0x3FFE];
	_ =	sdelay $0x1  }
0x8a: {  	s1 =	srdreg.scid  }
0x8b: {  	s0 =	sand.u32 $0x1, s1  }
0x8c: {  	s16 =	sshll.u32 s0, $0xA;
	s2 =	sadd.s32 s3, s2  }
0x8d: {  	s2 =	sadd.s32 s2, s16  }
0x8e: {  	[smem:$0x3FBE] =	sst s2  }
0x8f: {  	_ = 	snop  }
0x90: {  	(tm) =	ssettm $0x1  }
0x91: {  	s17 =	sld [smem:$0x3FFB];
	_ =	sdelay $0x3  }
0x92: {  	_ =	strace s17  }
0x93: {  	s2 =	sld [smem:$0x3FFC];
	_ =	sdelay $0x3  }
0x94: {  	_ =	strace s2  }
0x95: {  	s2 =	sld [smem:$0x3FFD];
	_ =	sdelay $0x3  }
0x96: {  	_ =	strace s2  }
0x97: {  	_ =	strace $0x8FFFFFFF  }
0x98: {  	s18 =	sld [smem:$0x3FDB];
	_ =	sdelay $0x1  }
0x99: {  	s19 =	simm.s32 $_scs_section_size  }
0x9a: {  	s4 =	simm.s32 $_size__tile_overlayer_lowered;
	s5 =	simm.s32 $_tile_overlayer_lowered  }
0x9b: {  	s22 =	simm.s32 $0x1BFF;
	s21 =	sshll.u32 s5, $0x1;
	s2 =	sadd.s32 s19, s18  }
0x9c: {  	s6 =	simm.s32 $0x0;
	s20 =	sshll.u32 s4, $0x1;
	s4 =	sadd.s32 s21, s2  }
0x9d: {  	[timem:s6], [sflag:s22] =	dma.local [hbm:s4], s20  }
0x9e: {  	_ =	swait.ge [sflag:s22], s20  }
0x9f: {  	s3 =	ssub.s32 $0x0, s20;
	[sflag:s22] =	ssyncset.done $0x0  }
0xa0: {  	[sflag:s22] =	ssyncadd.s32 s3;
	_ =	sdelay $0x1  }
0xa1: {  	s23 =	simm.s32 $0x1B8B  }
0xa2: {  	_ =	swait.ge [sflag:s23], $0x1  }
0xa3: {  	[sflag:s23] =	ssyncset.done $0x0  }
0xa4: {  	s25 =	simm.s32 $0x1B8E;
	s24 =	sld [smem:$0x3FFE];
	[sflag:s23] =	ssyncadd.s32 $0xFFFFFFFF  }
0xa5: {  	s26 =	simm.s32 $execute0_lowered;
	[smem:$0x3FD2] =	sst s25  }
0xa6: {  	s4 =	sshll.u32 s26, $0x1;
	_ =	strace $0x80000049;
	[dreg:$0x1] =	wrdreg $0xFFFFFFFF  }
0xa7: {  	s28 =	simm.s32 $_size_execute0_lowered;
	s2 =	sadd.s32 s2, s4;
	[dreg:$0x0] =	wrdreg $0x0  }
0xa8: {  	s4 =	sshll.u32 s28, $0x1;
	[dreg:$0x2] =	wrdreg s2  }
0xa9: {  	[dreg:$0x3] =	wrdreg s4  }
0xaa: {  	[dreg:$0x4] =	wrdreg $0xC0  }
0xab: {  	_ =	task [dreg:s6], $0x5FFFF  }
0xac: {  	[dreg:$0x1] =	wrdreg $0xFFFFFFFF  }
0xad: {  	[dreg:$0x0] =	wrdreg $0x60  }
0xae: {  	[dreg:$0x2] =	wrdreg s24  }
0xaf: {  	[dreg:$0x3] =	wrdreg $0x90000  }
0xb0: {  	[dreg:$0x4] =	wrdreg $0x9  }
0xb1: {  	_ =	task.clear_ibuf [dreg:s6], $0x5FFFF;
	_ =	strace $0x90000049  }
0xb2: {  	s29 =	simm.s32 $0x9;
	_ =	strace $0x8000004B  }
0xb3: {  	_ =	swait.ge [sflag:s29], $0x1  }
0xb4: {  	[sflag:s29] =	ssyncadd.s32 $0xFFFFFFFF  }
0xb5: {  	_ =	strace $0x9000004B  }
0xb6: {  	_ =	sfence  }
0xb7: {  	s30 =	sld [smem:$0x0];
	_ =	sdelay $0x2  }
0xb8: {  	s31 =	sshll.u32 s1, $0xD;
	s1 =	sshrl.u32 s1, $0x2  }
0xb9: {  	s3 =	sand.u32 $0x4000, s31;
	s1 =	sadd.s32 s1, s30  }
0xba: {  	s0 =	sor.u32 s3, s0;
	s1 =	sshll.u32 s1, $0x11  }
0xbb: {  	s0 =	sor.u32 s1, s0  }
0xbc: {  	s0 =	sadd.s32 $0x8F2B, s0  }
0xbd: {  	[sflag:s0] =	ssyncadd.remote.s32 $0x1  }
0xbe: {  	_ =	sfence.sel $0xFFFF  }
0xbf: {  	[dreg:$0x0] =	wrdreg $0xFFFFFFFF;
	(pc) =	sbr.abs _section_cstart, $3  }
0xc0: {  	[dreg:$0x1] =	wrdreg $0xFFFFFFFF  }
0xc1: {  	_ =	task.clear_ibuf [dreg:s6], $0x2FFFF;
	_ =	strace $0x9FFFFFFF  }
0xc2: {  	(tm) =	ssettm $0x7FFFFFFF  }
0xc3: {  	_ =	shalt  }
tec
execute0_lowered:
.L_overlay_start_1:
0x0: {  	(tag) =	ssettag $0x1  }
0x1: {  	s5 =	rddreg [dreg:$0x0];
	s1 =	srdreg.scid  }
0x2: {  	s0 =	stileid.u32;
	s2 =	rddreg [dreg:$0x1]  }
0x3: {  	s3 =	simm.s32 $0x0;
	s22 =	sand.u32 $0x1, s1;
	s1 =	rddreg [dreg:$0x2]  }
0x4: {  	s4 =	sshll.u32 s0, $0x1;
	[smem:$0x7FF] =	sst s3;
	s7 =	smul.u32 $0x4F000, s0  }
0x5: {  	s15 =	smul.u32 $0x13C00, s0;
	s17 =	sadd.s32 $0x3C400, s5;
	s4 =	sor.u32 s22, s4  }
0x6: {  	_ =	strace $0x8000004A;
	s8 =	ssub.s32 $0x2, s22;
	s16 =	smul.u32 $0x13C000, s22  }
0x7: {  	p0 =	seq.s32 s22, $0x0;
	s22 =	simm.s32 $0x1;
	s6 =	smul.u32 $0x500, s4  }
0x8: {  	s4 =	sadd.s32 $0x15200, s5;
	s24 =	sshrl.u32 s8, $0x1;
	s25 =	sshrl.u32 s7, $0x2  }
0x9: {  	s10 =	sadd.s32 $0x10000, s15;
	s18 =	sadd.s32 $0x4000, s15;
	s20 =	sadd.s32 $0x8000, s15  }
0xa: {  	s23 =	sadd.s32 $0xC000, s15;
	s11 =	ssub.s32 s8, s24;
	s12 =	sadd.s32 s16, s15  }
0xb: {  	s19 =	sadd.s32 s16, s18;
	s21 =	sadd.s32 s16, s20;
	s30 =	sadd.s32 s16, s23  }
0xc: {  	s24 =	sadd.s32 s18, s2;
	s18 =	simm.s32 $0x5000;
	s9 =	sadd.s32 s6, s5  }
0xd: {  	s5 =	sadd.s32 s25, s2;
	s6 =	sadd.s32 s10, s2;
	s10 =	sadd.s32 s16, s10  }
0xe: {  	s28 =	sshrl.u32 s12, $0x3;
	s11 =	smax.u32 s11, $0x1;
	s19 =	sshrl.u32 s19, $0x3  }
0xf: {  	s29 =	sshrl.u32 s21, $0x3;
	s31 =	sshrl.u32 s30, $0x3;
	s25 =	sadd.s32 s20, s2  }
0x10: {  	s20 =	simm.s32 $0x2800;
	s21 =	simm.s32 $0x80;
	s7 =	sadd.s32 $0xB200, s9  }
0x11: {  	s8 =	sadd.s32 $0x1200, s9;
	s26 =	sshrl.u32 s10, $0x3;
	s10 =	sadd.s32 s17, s28  }
0x12: {  	s12 =	sadd.s32 $0x4000, s5;
	s13 =	sadd.s32 $0x8000, s5;
	s14 =	sadd.s32 $0xC000, s5  }
0x13: {  	s15 =	sadd.s32 s17, s19;
	s16 =	sadd.s32 s17, s29;
	s19 =	simm.s32 $0x2  }
0x14: {  	s9 =	sadd.s32 s17, s26;
	s17 =	sadd.s32 s17, s31;
	s26 =	sadd.s32 s23, s2  }
0x15: {  	v0 =	vimm.f32 $0.0e+00;
	s23 =	sshrl.u32 s24, $0x3;
	s24 =	sshrl.u32 s25, $0x3;
	s25 =	sshrl.u32 s26, $0x3  }
.LBB2_1:
0x16: {  	s26 =	simm.s32 $0x0;
	s28 =	simm.s32 $0x200  }
.LBB2_2:
0x17: {  	p1 =	sne.s32 s28, $0xFE00;
	[tilespmem:s26+$0x5070] =	vst v0  }
0x18: {  	[tilespmem:s26+$0x5000] =	vst v0  }
0x19: {  	[tilespmem:s26+$0x5010] =	vst v0  }
.Ltmp0:
0x1a: {  	[tilespmem:s26+$0x5020] =	vst v0;
	(pc) =	sbr.rel @p1 .LBB2_2-.Ltmp0, $4  }
0x1b: {  	[tilespmem:s26+$0x5030] =	vst v0  }
0x1c: {  	[tilespmem:s26+$0x5040] =	vst v0  }
0x1d: {  	[tilespmem:s26+$0x5050] =	vst v0  }
0x1e: {  	[tilespmem:s26+$0x5060] =	vst v0;
	s26 =	sshra.s32 s28, $0x2;
	s28 =	sadd.s32 $0x200, s28  }
0x1f: {  	[tilespmem:s26+$0x5070] =	vst v0  }
0x20: {  	[tilespmem:s26+$0x5000] =	vst v0  }
0x21: {  	[tilespmem:s26+$0x5010] =	vst v0  }
0x22: {  	[tilespmem:s26+$0x5020] =	vst v0  }
0x23: {  	[tilespmem:s26+$0x5030] =	vst v0  }
0x24: {  	[tilespmem:s26+$0x5040] =	vst v0  }
0x25: {  	[tilespmem:s26+$0x5050] =	vst v0  }
0x26: {  	[tilespmem:s26+$0x5060] =	vst v0  }
0x27: {  	[spmem:s5] =	stream.linear.scatter [tilespmem:s18], [sflag:$0x2], $0x4000, $0x38;
	[tilespmem:$0x1CC00] =	vst v63  }
0x28: {  	_ =	swait.ge [sflag:s19], $0x4000  }
0x29: {  	[sflag:s19] =	ssyncset.done $0x0  }
0x2a: {  	[sflag:s19] =	ssyncadd.s32 $0xFFFFC000  }
0x2b: {  	[spmem:s12] =	stream.linear.scatter [tilespmem:s18], [sflag:$0x2], $0x4000, $0x38;
	[tilespmem:$0x1CC00] =	vst v63  }
0x2c: {  	_ =	swait.ge [sflag:s19], $0x4000  }
0x2d: {  	[sflag:s19] =	ssyncset.done $0x0  }
0x2e: {  	[sflag:s19] =	ssyncadd.s32 $0xFFFFC000  }
0x2f: {  	[spmem:s13] =	stream.linear.scatter [tilespmem:s18], [sflag:$0x2], $0x4000, $0x38;
	[tilespmem:$0x1CC00] =	vst v63  }
0x30: {  	_ =	swait.ge [sflag:s19], $0x4000  }
0x31: {  	[sflag:s19] =	ssyncset.done $0x0  }
0x32: {  	[sflag:s19] =	ssyncadd.s32 $0xFFFFC000  }
0x33: {  	[spmem:s14] =	stream.linear.scatter [tilespmem:s18], [sflag:$0x2], $0x4000, $0x38;
	[tilespmem:$0x1CC00] =	vst v63  }
0x34: {  	_ =	swait.ge [sflag:s19], $0x4000  }
0x35: {  	[sflag:s19] =	ssyncset.done $0x0  }
0x36: {  	[sflag:s19] =	ssyncadd.s32 $0xFFFFC000  }
0x37: {  	[spmem:s6] =	stream.linear.scatter [tilespmem:s18], [sflag:$0x2], $0x3C00, $0x38;
	[tilespmem:$0x1CC00] =	vst v63  }
0x38: {  	_ =	swait.ge [sflag:s19], $0x3C00  }
0x39: {  	[sflag:s19] =	ssyncset.done $0x0  }
0x3a: {  	s29 =	simm.s32 $0x0;
	[sflag:s19] =	ssyncadd.s32 $0xFFFFC400  }
0x3b: {  	[tilespmem:s29], [sflag:$0x2] =	stream.linear.gather [hbm4b:s7+s29], $0x2780, $0x38;
	[tilespmem:$0x1CC00] =	vst v63  }
0x3c: {  	_ =	swait.ge [sflag:s19], $0x2780  }
0x3d: {  	[sflag:s19] =	ssyncset.done $0x0  }
0x3e: {  	[sflag:s19] =	ssyncadd.s32 $0xFFFFD880  }
0x3f: {  	[tilespmem:s20], [sflag:$0x2] =	stream.linear.gather [hbm4b:s8+s29], $0x2780, $0x38;
	[tilespmem:$0x1CC00] =	vst v63  }
0x40: {  	_ =	swait.ge [sflag:s19], $0x2780  }
0x41: {  	[sflag:s19] =	ssyncset.done $0x0  }
0x42: {  	[sflag:s19] =	ssyncadd.s32 $0xFFFFD880  }
0x43: {  	s30 =	simm.s32 $0x0;
	[bflag:$0x0] =	sbarrier.arrive $0xFFFF  }
0x44: {  	[tilespmem:s18], [sflag:$0x1] =	stream.indirect.gather [hbm4b:s4+s21], $0x80, s30, s21, $0xb8;
	[tilespmem:$0x1CC00] =	vst v63  }
0x45: {  	_ =	swait.ge [sflag:s22], $0x4000  }
0x46: {  	[sflag:s22] =	ssyncset.done $0x0  }
0x47: {  	s31 =	simm.s32 $0x2800;
	[sflag:s22] =	ssyncadd.s32 $0xFFFFC000  }
0x48: {  	[spmem:s2] =	stream.indirect.scatter.add.f32 [tilespmem:s18], [sflag:$0x2], $0x80, s31, s21, $0xb8;
	[tilespmem:$0x1CC00] =	vst v63  }
0x49: {  	_ =	swait.ge [sflag:s19], $0x4000  }
0x4a: {  	s26 =	simm.s32 $0x200;
	s28 =	simm.s32 $0x400;
	[sflag:s19] =	ssyncset.done $0x0  }
.LBB2_4:
0x4b: {  	s29 =	sshra.s32 s26, $0x2  }
0x4c: {  	[sflag:s19] =	ssyncadd.s32 $0xFFFFC000;
	s26 =	smov.u32 s28;
	s30 =	sadd.s32 $0x200, s28  }
0x4d: {  	[tilespmem:s18], [sflag:$0x1] =	stream.indirect.gather [hbm4b:s4+s21], $0x80, s29, s21, $0xb8;
	[tilespmem:$0x1CC00] =	vst v63  }
0x4e: {  	p1 =	sne.s32 s28, $0x9A00;
	_ =	swait.ge [sflag:s22], $0x4000  }
.Ltmp1:
0x4f: {  	[sflag:s22] =	ssyncset.done $0x0;
	(pc) =	sbr.rel @p1 .LBB2_4-.Ltmp1, $4  }
0x50: {  	s28 =	sadd.s32 $0x2800, s29;
	[sflag:s22] =	ssyncadd.s32 $0xFFFFC000  }
0x51: {  	[spmem:s2] =	stream.indirect.scatter.add.f32 [tilespmem:s18], [sflag:$0x2], $0x80, s28, s21, $0xb8;
	[tilespmem:$0x1CC00] =	vst v63  }
0x52: {  	_ =	swait.ge [sflag:s19], $0x4000  }
0x53: {  	s28 =	smov.u32 s30;
	[sflag:s19] =	ssyncset.done $0x0  }
0x54: {  	s26 =	sshra.s32 s26, $0x2;
	[sflag:s19] =	ssyncadd.s32 $0xFFFFC000  }
0x55: {  	[tilespmem:s18], [sflag:$0x1] =	stream.indirect.gather [hbm4b:s4+s21], $0x80, s26, s21, $0xb8;
	[tilespmem:$0x1CC00] =	vst v63  }
0x56: {  	_ =	swait.ge [sflag:s22], $0x4000  }
0x57: {  	[sflag:s22] =	ssyncset.done $0x0  }
0x58: {  	s26 =	sadd.s32 $0x2800, s26;
	[sflag:s22] =	ssyncadd.s32 $0xFFFFC000  }
0x59: {  	[spmem:s2] =	stream.indirect.scatter.add.f32 [tilespmem:s18], [sflag:$0x2], $0x80, s26, s21, $0xb8;
	[tilespmem:$0x1CC00] =	vst v63  }
0x5a: {  	_ =	swait.ge [sflag:s19], $0x4000  }
0x5b: {  	s28 =	simm.s32 @!p0 $0x2700;
	[sflag:s19] =	ssyncset.done $0x0  }
0x5c: {  	s29 =	simm.s32 @!p0 $0x5000;
	s26 =	simm.s32 @!p0 $0x80;
	[sflag:s19] =	ssyncadd.s32 $0xFFFFC000  }
0x5d: {  	[tilespmem:s29], [sflag:$0x1] =	stream.indirect.gather @!p0 [hbm4b:s4+s26], $0x80, s28, s26, $0xb8;
	[tilespmem:$0x1CC00] =	vst v63  }
0x5e: {  	s28 =	simm.s32 @!p0 $0x1  }
0x5f: {  	_ =	swait.ge @!p0 [sflag:s28], $0x4000  }
0x60: {  	[sflag:s28] =	ssyncset.done @!p0 $0x0  }
0x61: {  	[sflag:s28] =	ssyncadd.s32 @!p0 $0xFFFFC000;
	s28 =	simm.s32 @!p0 $0x4F00  }
0x62: {  	[spmem:s2] =	stream.indirect.scatter.add.f32 @!p0 [tilespmem:s29], [sflag:$0x2], $0x80, s28, s26, $0xb8;
	[tilespmem:$0x1CC00] =	vst v63  }
0x63: {  	s26 =	simm.s32 @!p0 $0x2  }
0x64: {  	_ =	swait.ge @!p0 [sflag:s26], $0x4000  }
0x65: {  	[sflag:s26] =	ssyncset.done @!p0 $0x0  }
0x66: {  	s29 =	sshll.u32 s0, $0x6;
	[sflag:s26] =	ssyncadd.s32 @!p0 $0xFFFFC000  }
0x67: {  	s30 =	sshrl.u32 s5, $0x3;
	s26 =	sor.u32 $0x1C02, s29;
	[bflag:$0x0] =	sbarrier.arrive $0xFFFF  }
0x68: {  	[hbm:s10], [sflag:s26] =	dma.local [spmem:s30], $0x800  }
0x69: {  	_ =	swait.ge [sflag:s19], $0x800  }
0x6a: {  	[sflag:s19] =	ssyncset.done $0x0  }
0x6b: {  	[sflag:s19] =	ssyncadd.s32 $0xFFFFF800  }
0x6c: {  	[hbm:s15], [sflag:s26] =	dma.local [spmem:s23], $0x800  }
0x6d: {  	_ =	swait.ge [sflag:s19], $0x800  }
0x6e: {  	[sflag:s19] =	ssyncset.done $0x0  }
0x6f: {  	[sflag:s19] =	ssyncadd.s32 $0xFFFFF800  }
0x70: {  	[hbm:s16], [sflag:s26] =	dma.local [spmem:s24], $0x800  }
0x71: {  	_ =	swait.ge [sflag:s19], $0x800  }
0x72: {  	[sflag:s19] =	ssyncset.done $0x0  }
0x73: {  	[sflag:s19] =	ssyncadd.s32 $0xFFFFF800  }
0x74: {  	[hbm:s17], [sflag:s26] =	dma.local [spmem:s25], $0x800  }
0x75: {  	s3 =	sadd.s32 $0x1, s3;
	_ =	swait.ge [sflag:s19], $0x800  }
0x76: {  	p1 =	sne.s32 s3, s11;
	[sflag:s19] =	ssyncset.done $0x0  }
.Ltmp2:
0x77: {  	s31 =	sshrl.u32 s6, $0x3;
	[sflag:s19] =	ssyncadd.s32 $0xFFFFF800;
	(pc) =	sbr.rel @p1 .LBB2_1-.Ltmp2, $4  }
0x78: {  	[hbm:s9], [sflag:s26] =	dma.local [spmem:s31], $0x780  }
0x79: {  	_ =	swait.ge [sflag:s19], $0x780  }
0x7a: {  	[sflag:s19] =	ssyncset.done $0x0  }
0x7b: {  	[sflag:s19] =	ssyncadd.s32 $0xFFFFF880  }
0x7c: {  	_ =	sfence.sel $0x180000  }
0x7d: {  	[bflag:$0x0] =	sbarrier.arrive $0xFFFF  }
0x7e: {  	p0 =	sne.s32 s0, $0x0;
	_ =	strace $0x9000004A  }
0x7f: {  	s0 =	sadd.s32 @!p0 $0x100000, s1;
	[bflag:$0x2] =	sbarrier.arrive $0xFFFF  }
0x80: {  	[sflag:s0] =	ssyncadd.tile.s32 @!p0 $0x1;
	_ =	shalt  }
.Lfunc_end2:
_tile_overlayer_lowered:
.L_overlay_start_2:
0x81: {  	(tag) =	ssettag $0x2  }
0x82: {  	s0 =	rddreg [dreg:$0x0];
	s2 =	stileid.u32  }
0x83: {  	s1 =	rddreg [dreg:$0x1];
	p0 =	sne.s32 s2, $0x0  }
0x84: {  	s3 =	rddreg [dreg:$0x2];
	[bflag:$0x3] =	sbarrier.arrive $0xFFFF;
	s2 =	simm.s32 @!p0 $0x1C02  }
0x85: {  	[timem:s3], [sflag:s2] =	dma.local @!p0 [hbm:s0], s1  }
0x86: {  	s0 =	simm.s32 @!p0 $0x2  }
0x87: {  	_ =	swait.ge @!p0 [sflag:s0], s1  }
0x88: {  	s1 =	ssub.s32 @!p0 $0x0, s1;
	[sflag:s0] =	ssyncset.done @!p0 $0x0  }
0x89: {  	[sflag:s0] =	ssyncadd.s32 @!p0 s1  }
0x8a: {  	[bflag:$0x3] =	sbarrier.arrive $0xFFFF  }
0x8b: {  	_ =	shalt  }

// kernel: kernel.7.cloned.1.call-start
scs
__scs_entry_jumppad:
0x0: {  	(pc) =	sbr.rel $0x88, $3  }
0x1: {  	(tag) =	ssettag $0x0;
	lr =	simm.s32 $0x1  }
0x2: {  	[smem:$0x3F97] =	sst lr;
	_ =	strace $0xD0000000  }
0x3: {  	_ = 	snop  }
0x4: {  	_ = 	snop  }
0x5: {  	_ = 	snop  }
0x6: {  	_ = 	snop  }
0x7: {  	_ = 	snop  }
__scs_overlays_trampoline_lowered:
0x8: {  	[smem:$0x3FA6] =	sst s0  }
0x9: {  	[smem:$0x3FA7] =	sst s1  }
0xa: {  	[smem:$0x3FA8] =	sst s2  }
0xb: {  	[smem:$0x3FA9] =	sst s3  }
0xc: {  	[smem:$0x3FAA] =	sst s4  }
0xd: {  	[smem:$0x3FAB] =	sst s5  }
0xe: {  	[smem:$0x3FAC] =	sst s6  }
0xf: {  	[smem:$0x3FAD] =	sst s7  }
0x10: {  	[smem:$0x3FAE] =	sst s8  }
0x11: {  	[smem:$0x3FAF] =	sst s9;
	s0 =	simm.s32 @!p0 $0x0  }
0x12: {  	s1 =	sld [smem:$0x3F95];
	s0 =	simm.s32 @p0 $0x1  }
0x13: {  	[smem:$0x3FB0] =	sst s0;
	s0 =	simm.s32 @!p1 $0x0  }
0x14: {  	s2 =	sld [smem:$0x3F94];
	s0 =	simm.s32 @p1 $0x1  }
0x15: {  	[smem:$0x3FB1] =	sst s0;
	s0 =	simm.s32 @!p2 $0x0  }
0x16: {  	s3 =	sld [smem:$0x3FDB];
	s0 =	simm.s32 @p2 $0x1  }
0x17: {  	s4 =	simm.s32 $0x1BF5;
	[smem:$0x3FB3] =	sst s0  }
0x18: {  	s0 =	sld [smem:$0x3F96];
	_ =	swait.ge [sflag:s4], $0x0  }
0x19: {  	s7 =	sld [smem:$0x3F97]  }
0x1a: {  	s8 =	sadd.s32 $0xFFFFE003, lr  }
0x1b: {  	s9 =	sadd.s32 $0xFFFFFEF7, lr;
	s5 =	simm.s32 $0xFFFFFFFF;
	p2 =	slt.u32 s8, $0xFFFFF086  }
0x1c: {  	p1 =	slt.u32 s9, $0xF7A;
	s5 =	simm.s32 @!p2 $0x0  }
0x1d: {  	s5 =	simm.s32 @p1 $0x1;
	p0 =	seq.s32 s7, s2  }
0x1e: {  	s7 =	smul.u32 @!p0 $0xF7A, s2;
	p2 =	seq.s32 @!p0 s5, $0x0  }
0x1f: {  	s9 =	smul.u32 $0xF7A, s1;
	s8 =	simm.s32 @!p0 $0x1BF5;
	p2 =	por !p2, p0  }
0x20: {  	[sflag:s8] =	ssyncset.s32 @!p0 $0xFFFFF086;
	s6 =	sadd.s32 @!p0 s3, s7;
	s7 =	simm.s32 @!p0 $0x108  }
0x21: {  	s3 =	sadd.s32 s3, s9;
	s6 =	sadd.s32 @!p0 $0x88, s6;
	s7 =	simm.s32 @p2 $0x1082  }
0x22: {  	[simem:s7], [sflag:s8] =	dma.local @!p0 [hbm:s6], $0xF7A  }
0x23: {  	s9 =	sor.u32 $0xD0000000, s2;
	s6 =	simm.s32 $0x108;
	_ =	swait.ge @!p0 [sflag:s8], $0x0  }
0x24: {  	s3 =	sadd.s32 $0x88, s3;
	s6 =	simm.s32 @!p1 $0x1082;
	[sflag:s4] =	ssyncset.s32 $0xFFFFF086  }
0x25: {  	[simem:s6], [sflag:s4] =	dma.local [hbm:s3], $0xF7A  }
0x26: {  	[smem:$0x3F97] =	sst s1;
	(tag) =	ssettag s2;
	_ =	strace s9  }
0x27: {  	s1 =	sld [smem:$0x3FA7]  }
0x28: {  	s2 =	sld [smem:$0x3FA8]  }
0x29: {  	s4 =	sld [smem:$0x3FAA]  }
0x2a: {  	p0 =	seq.s32 s5, $0x0;
	s5 =	sld [smem:$0x3FAB]  }
0x2b: {  	s6 =	sld [smem:$0x3FAC]  }
0x2c: {  	s7 =	sld [smem:$0x3FAD]  }
0x2d: {  	s3 =	simm.s32 $0x108;
	s8 =	sld [smem:$0x3FAE]  }
0x2e: {  	s3 =	simm.s32 @!p0 $0x1082;
	s9 =	sld [smem:$0x3FAF]  }
0x2f: {  	lr =	sadd.s32 s0, s3;
	s0 =	sld [smem:$0x3FA6]  }
0x30: {  	s3 =	sld [smem:$0x3FA9]  }
0x31: {  	[smem:$0x3FB2] =	sst s10  }
0x32: {  	s10 =	sld [smem:$0x3FB0];
	_ =	sdelay $0x3  }
0x33: {  	p0 =	seq.s32 s10, $0x1;
	s10 =	sld [smem:$0x3FB2];
	_ =	sdelay $0x3  }
0x34: {  	[smem:$0x3FB2] =	sst s10  }
0x35: {  	s10 =	sld [smem:$0x3FB1];
	_ =	sdelay $0x3  }
0x36: {  	p1 =	seq.s32 s10, $0x1;
	s10 =	sld [smem:$0x3FB2];
	_ =	sdelay $0x3  }
0x37: {  	[smem:$0x3FB2] =	sst s10  }
0x38: {  	s10 =	sld [smem:$0x3FB3]  }
0x39: {  	_ = 	snop;
	(pc) =	sbr.ind lr, $3  }
0x3a: {  	_ = 	snop  }
0x3b: {  	_ = 	snop  }
0x3c: {  	p2 =	seq.s32 s10, $0x1;
	s10 =	sld [smem:$0x3FB2]  }
0x3d: {  	_ =	shalt  }
0x3e: {  	_ =	shalt  }
0x3f: {  	_ =	shalt  }
0x40: {  	_ =	shalt  }
0x41: {  	_ =	shalt  }
0x42: {  	_ =	shalt  }
0x43: {  	_ =	shalt  }
0x44: {  	_ =	shalt  }
0x45: {  	_ =	shalt  }
0x46: {  	_ =	shalt  }
0x47: {  	_ =	shalt  }
0x48: {  	_ =	shalt  }
0x49: {  	_ =	shalt  }
0x4a: {  	_ =	shalt  }
0x4b: {  	_ =	shalt  }
0x4c: {  	_ =	shalt  }
0x4d: {  	_ =	shalt  }
0x4e: {  	_ =	shalt  }
0x4f: {  	_ =	shalt  }
0x50: {  	_ =	shalt  }
0x51: {  	_ =	shalt  }
0x52: {  	_ =	shalt  }
0x53: {  	_ =	shalt  }
0x54: {  	_ =	shalt  }
0x55: {  	_ =	shalt  }
0x56: {  	_ =	shalt  }
0x57: {  	_ =	shalt  }
0x58: {  	_ =	shalt  }
0x59: {  	_ =	shalt  }
0x5a: {  	_ =	shalt  }
0x5b: {  	_ =	shalt  }
0x5c: {  	_ =	shalt  }
0x5d: {  	_ =	shalt  }
0x5e: {  	_ =	shalt  }
0x5f: {  	_ =	shalt  }
0x60: {  	_ =	shalt  }
0x61: {  	_ =	shalt  }
0x62: {  	_ =	shalt  }
0x63: {  	_ =	shalt  }
0x64: {  	_ =	shalt  }
0x65: {  	_ =	shalt  }
0x66: {  	_ =	shalt  }
0x67: {  	_ =	shalt  }
0x68: {  	_ =	shalt  }
0x69: {  	_ =	shalt  }
0x6a: {  	_ =	shalt  }
0x6b: {  	_ =	shalt  }
0x6c: {  	_ =	shalt  }
0x6d: {  	_ =	shalt  }
0x6e: {  	_ =	shalt  }
0x6f: {  	_ =	shalt  }
0x70: {  	_ =	shalt  }
0x71: {  	_ =	shalt  }
0x72: {  	_ =	shalt  }
0x73: {  	_ =	shalt  }
0x74: {  	_ =	shalt  }
0x75: {  	_ =	shalt  }
0x76: {  	_ =	shalt  }
0x77: {  	_ =	shalt  }
0x78: {  	_ =	shalt  }
0x79: {  	_ =	shalt  }
0x7a: {  	_ =	shalt  }
0x7b: {  	_ =	shalt  }
0x7c: {  	_ =	shalt  }
0x7d: {  	_ =	shalt  }
0x7e: {  	_ =	shalt  }
0x7f: {  	_ =	shalt  }
0x80: {  	_ =	shalt  }
0x81: {  	_ =	shalt  }
0x82: {  	_ =	shalt  }
0x83: {  	_ =	shalt  }
0x84: {  	_ =	shalt  }
0x85: {  	_ =	shalt  }
0x86: {  	_ =	shalt  }
0x87: {  	_ =	shalt  }
.Lfunc_end0:
.L_simem_size_0:
called_computation_lowered:
.L_overlay_start_0:
0x88: {  	s2 =	sld [smem:$0x3FD9]  }
0x89: {  	s3 =	sld [smem:$0x3FFE];
	_ =	sdelay $0x1  }
0x8a: {  	s1 =	srdreg.scid  }
0x8b: {  	s0 =	sand.u32 $0x1, s1  }
0x8c: {  	s16 =	sshll.u32 s0, $0xA;
	s2 =	sadd.s32 s3, s2  }
0x8d: {  	s2 =	sadd.s32 s2, s16  }
0x8e: {  	[smem:$0x3FBE] =	sst s2  }
0x8f: {  	_ = 	snop  }
0x90: {  	(tm) =	ssettm $0x1  }
0x91: {  	s17 =	sld [smem:$0x3FFB];
	_ =	sdelay $0x3  }
0x92: {  	_ =	strace s17  }
0x93: {  	s2 =	sld [smem:$0x3FFC];
	_ =	sdelay $0x3  }
0x94: {  	_ =	strace s2  }
0x95: {  	s2 =	sld [smem:$0x3FFD];
	_ =	sdelay $0x3  }
0x96: {  	_ =	strace s2  }
0x97: {  	_ =	strace $0x8FFFFFFF  }
0x98: {  	s18 =	sld [smem:$0x3FDB];
	_ =	sdelay $0x1  }
0x99: {  	s19 =	simm.s32 $_scs_section_size  }
0x9a: {  	s4 =	simm.s32 $_size__tile_overlayer_lowered;
	s5 =	simm.s32 $_tile_overlayer_lowered  }
0x9b: {  	s22 =	simm.s32 $0x1BFF;
	s21 =	sshll.u32 s5, $0x1;
	s2 =	sadd.s32 s19, s18  }
0x9c: {  	s6 =	simm.s32 $0x0;
	s20 =	sshll.u32 s4, $0x1;
	s4 =	sadd.s32 s21, s2  }
0x9d: {  	[timem:s6], [sflag:s22] =	dma.local [hbm:s4], s20  }
0x9e: {  	_ =	swait.ge [sflag:s22], s20  }
0x9f: {  	s3 =	ssub.s32 $0x0, s20;
	[sflag:s22] =	ssyncset.done $0x0  }
0xa0: {  	[sflag:s22] =	ssyncadd.s32 s3;
	_ =	sdelay $0x1  }
0xa1: {  	s23 =	simm.s32 $0x1B8B  }
0xa2: {  	_ =	swait.ge [sflag:s23], $0x1  }
0xa3: {  	[sflag:s23] =	ssyncset.done $0x0  }
0xa4: {  	s25 =	simm.s32 $0x1B8E;
	s24 =	sld [smem:$0x3FFE];
	[sflag:s23] =	ssyncadd.s32 $0xFFFFFFFF  }
0xa5: {  	s26 =	simm.s32 $execute0_lowered;
	[smem:$0x3FD2] =	sst s25  }
0xa6: {  	s4 =	sshll.u32 s26, $0x1;
	_ =	strace $0x80000046;
	[dreg:$0x1] =	wrdreg $0xFFFFFFFF  }
0xa7: {  	s28 =	simm.s32 $_size_execute0_lowered;
	s2 =	sadd.s32 s2, s4;
	[dreg:$0x0] =	wrdreg $0x0  }
0xa8: {  	s4 =	sshll.u32 s28, $0x1;
	[dreg:$0x2] =	wrdreg s2  }
0xa9: {  	[dreg:$0x3] =	wrdreg s4  }
0xaa: {  	[dreg:$0x4] =	wrdreg $0xC0  }
0xab: {  	_ =	task [dreg:s6], $0x5FFFF  }
0xac: {  	[dreg:$0x1] =	wrdreg $0xFFFFFFFF  }
0xad: {  	[dreg:$0x0] =	wrdreg $0x60  }
0xae: {  	[dreg:$0x2] =	wrdreg s24  }
0xaf: {  	[dreg:$0x3] =	wrdreg $0x90000  }
0xb0: {  	[dreg:$0x4] =	wrdreg $0x9  }
0xb1: {  	_ =	task.clear_ibuf [dreg:s6], $0x5FFFF;
	_ =	strace $0x90000046  }
0xb2: {  	s29 =	simm.s32 $0x9;
	_ =	strace $0x80000048  }
0xb3: {  	_ =	swait.ge [sflag:s29], $0x1  }
0xb4: {  	[sflag:s29] =	ssyncadd.s32 $0xFFFFFFFF  }
0xb5: {  	_ =	strace $0x90000048  }
0xb6: {  	_ =	sfence  }
0xb7: {  	s30 =	sld [smem:$0x0];
	_ =	sdelay $0x2  }
0xb8: {  	s31 =	sshll.u32 s1, $0xD;
	s1 =	sshrl.u32 s1, $0x2  }
0xb9: {  	s3 =	sand.u32 $0x4000, s31;
	s1 =	sadd.s32 s1, s30  }
0xba: {  	s0 =	sor.u32 s3, s0;
	s1 =	sshll.u32 s1, $0x11  }
0xbb: {  	s0 =	sor.u32 s1, s0  }
0xbc: {  	s0 =	sadd.s32 $0x8F2B, s0  }
0xbd: {  	[sflag:s0] =	ssyncadd.remote.s32 $0x1  }
0xbe: {  	_ =	sfence.sel $0xFFFF  }
0xbf: {  	[dreg:$0x0] =	wrdreg $0xFFFFFFFF;
	(pc) =	sbr.abs _section_cstart, $3  }
0xc0: {  	[dreg:$0x1] =	wrdreg $0xFFFFFFFF  }
0xc1: {  	_ =	task.clear_ibuf [dreg:s6], $0x2FFFF;
	_ =	strace $0x9FFFFFFF  }
0xc2: {  	(tm) =	ssettm $0x7FFFFFFF  }
0xc3: {  	_ =	shalt  }
tec
execute0_lowered:
.L_overlay_start_1:
0x0: {  	(tag) =	ssettag $0x1  }
0x1: {  	s5 =	rddreg [dreg:$0x0];
	s1 =	srdreg.scid  }
0x2: {  	s0 =	stileid.u32;
	s2 =	rddreg [dreg:$0x1]  }
0x3: {  	s3 =	simm.s32 $0x0;
	s22 =	sand.u32 $0x1, s1;
	s1 =	rddreg [dreg:$0x2]  }
0x4: {  	s4 =	sshll.u32 s0, $0x1;
	[smem:$0x7FF] =	sst s3;
	s7 =	smul.u32 $0x4F000, s0  }
0x5: {  	s15 =	smul.u32 $0x13C00, s0;
	s17 =	sadd.s32 $0x3C400, s5;
	s4 =	sor.u32 s22, s4  }
0x6: {  	_ =	strace $0x80000047;
	s8 =	ssub.s32 $0x2, s22;
	s16 =	smul.u32 $0x13C000, s22  }
0x7: {  	p0 =	seq.s32 s22, $0x0;
	s22 =	simm.s32 $0x1;
	s6 =	smul.u32 $0x500, s4  }
0x8: {  	s4 =	sadd.s32 $0x15200, s5;
	s24 =	sshrl.u32 s8, $0x1;
	s25 =	sshrl.u32 s7, $0x2  }
0x9: {  	s10 =	sadd.s32 $0x10000, s15;
	s18 =	sadd.s32 $0x4000, s15;
	s20 =	sadd.s32 $0x8000, s15  }
0xa: {  	s23 =	sadd.s32 $0xC000, s15;
	s11 =	ssub.s32 s8, s24;
	s12 =	sadd.s32 s16, s15  }
0xb: {  	s19 =	sadd.s32 s16, s18;
	s21 =	sadd.s32 s16, s20;
	s30 =	sadd.s32 s16, s23  }
0xc: {  	s24 =	sadd.s32 s18, s2;
	s18 =	simm.s32 $0x5000;
	s9 =	sadd.s32 s6, s5  }
0xd: {  	s5 =	sadd.s32 s25, s2;
	s6 =	sadd.s32 s10, s2;
	s10 =	sadd.s32 s16, s10  }
0xe: {  	s28 =	sshrl.u32 s12, $0x3;
	s11 =	smax.u32 s11, $0x1;
	s19 =	sshrl.u32 s19, $0x3  }
0xf: {  	s29 =	sshrl.u32 s21, $0x3;
	s31 =	sshrl.u32 s30, $0x3;
	s25 =	sadd.s32 s20, s2  }
0x10: {  	s20 =	simm.s32 $0x2800;
	s21 =	simm.s32 $0x80;
	s7 =	sadd.s32 $0xB200, s9  }
0x11: {  	s8 =	sadd.s32 $0x1200, s9;
	s26 =	sshrl.u32 s10, $0x3;
	s10 =	sadd.s32 s17, s28  }
0x12: {  	s12 =	sadd.s32 $0x4000, s5;
	s13 =	sadd.s32 $0x8000, s5;
	s14 =	sadd.s32 $0xC000, s5  }
0x13: {  	s15 =	sadd.s32 s17, s19;
	s16 =	sadd.s32 s17, s29;
	s19 =	simm.s32 $0x2  }
0x14: {  	s9 =	sadd.s32 s17, s26;
	s17 =	sadd.s32 s17, s31;
	s26 =	sadd.s32 s23, s2  }
0x15: {  	v0 =	vimm.f32 $0.0e+00;
	s23 =	sshrl.u32 s24, $0x3;
	s24 =	sshrl.u32 s25, $0x3;
	s25 =	sshrl.u32 s26, $0x3  }
.LBB2_1:
0x16: {  	s26 =	simm.s32 $0x0;
	s28 =	simm.s32 $0x200  }
.LBB2_2:
0x17: {  	p1 =	sne.s32 s28, $0xFE00;
	[tilespmem:s26+$0x5070] =	vst v0  }
0x18: {  	[tilespmem:s26+$0x5000] =	vst v0  }
0x19: {  	[tilespmem:s26+$0x5010] =	vst v0  }
.Ltmp0:
0x1a: {  	[tilespmem:s26+$0x5020] =	vst v0;
	(pc) =	sbr.rel @p1 .LBB2_2-.Ltmp0, $4  }
0x1b: {  	[tilespmem:s26+$0x5030] =	vst v0  }
0x1c: {  	[tilespmem:s26+$0x5040] =	vst v0  }
0x1d: {  	[tilespmem:s26+$0x5050] =	vst v0  }
0x1e: {  	[tilespmem:s26+$0x5060] =	vst v0;
	s26 =	sshra.s32 s28, $0x2;
	s28 =	sadd.s32 $0x200, s28  }
0x1f: {  	[tilespmem:s26+$0x5070] =	vst v0  }
0x20: {  	[tilespmem:s26+$0x5000] =	vst v0  }
0x21: {  	[tilespmem:s26+$0x5010] =	vst v0  }
0x22: {  	[tilespmem:s26+$0x5020] =	vst v0  }
0x23: {  	[tilespmem:s26+$0x5030] =	vst v0  }
0x24: {  	[tilespmem:s26+$0x5040] =	vst v0  }
0x25: {  	[tilespmem:s26+$0x5050] =	vst v0  }
0x26: {  	[tilespmem:s26+$0x5060] =	vst v0  }
0x27: {  	[spmem:s5] =	stream.linear.scatter [tilespmem:s18], [sflag:$0x2], $0x4000, $0x38;
	[tilespmem:$0x1CC00] =	vst v63  }
0x28: {  	_ =	swait.ge [sflag:s19], $0x4000  }
0x29: {  	[sflag:s19] =	ssyncset.done $0x0  }
0x2a: {  	[sflag:s19] =	ssyncadd.s32 $0xFFFFC000  }
0x2b: {  	[spmem:s12] =	stream.linear.scatter [tilespmem:s18], [sflag:$0x2], $0x4000, $0x38;
	[tilespmem:$0x1CC00] =	vst v63  }
0x2c: {  	_ =	swait.ge [sflag:s19], $0x4000  }
0x2d: {  	[sflag:s19] =	ssyncset.done $0x0  }
0x2e: {  	[sflag:s19] =	ssyncadd.s32 $0xFFFFC000  }
0x2f: {  	[spmem:s13] =	stream.linear.scatter [tilespmem:s18], [sflag:$0x2], $0x4000, $0x38;
	[tilespmem:$0x1CC00] =	vst v63  }
0x30: {  	_ =	swait.ge [sflag:s19], $0x4000  }
0x31: {  	[sflag:s19] =	ssyncset.done $0x0  }
0x32: {  	[sflag:s19] =	ssyncadd.s32 $0xFFFFC000  }
0x33: {  	[spmem:s14] =	stream.linear.scatter [tilespmem:s18], [sflag:$0x2], $0x4000, $0x38;
	[tilespmem:$0x1CC00] =	vst v63  }
0x34: {  	_ =	swait.ge [sflag:s19], $0x4000  }
0x35: {  	[sflag:s19] =	ssyncset.done $0x0  }
0x36: {  	[sflag:s19] =	ssyncadd.s32 $0xFFFFC000  }
0x37: {  	[spmem:s6] =	stream.linear.scatter [tilespmem:s18], [sflag:$0x2], $0x3C00, $0x38;
	[tilespmem:$0x1CC00] =	vst v63  }
0x38: {  	_ =	swait.ge [sflag:s19], $0x3C00  }
0x39: {  	[sflag:s19] =	ssyncset.done $0x0  }
0x3a: {  	s29 =	simm.s32 $0x0;
	[sflag:s19] =	ssyncadd.s32 $0xFFFFC400  }
0x3b: {  	[tilespmem:s29], [sflag:$0x2] =	stream.linear.gather [hbm4b:s7+s29], $0x2780, $0x38;
	[tilespmem:$0x1CC00] =	vst v63  }
0x3c: {  	_ =	swait.ge [sflag:s19], $0x2780  }
0x3d: {  	[sflag:s19] =	ssyncset.done $0x0  }
0x3e: {  	[sflag:s19] =	ssyncadd.s32 $0xFFFFD880  }
0x3f: {  	[tilespmem:s20], [sflag:$0x2] =	stream.linear.gather [hbm4b:s8+s29], $0x2780, $0x38;
	[tilespmem:$0x1CC00] =	vst v63  }
0x40: {  	_ =	swait.ge [sflag:s19], $0x2780  }
0x41: {  	[sflag:s19] =	ssyncset.done $0x0  }
0x42: {  	[sflag:s19] =	ssyncadd.s32 $0xFFFFD880  }
0x43: {  	s30 =	simm.s32 $0x0;
	[bflag:$0x0] =	sbarrier.arrive $0xFFFF  }
0x44: {  	[tilespmem:s18], [sflag:$0x1] =	stream.indirect.gather [hbm4b:s4+s21], $0x80, s30, s21, $0xb8;
	[tilespmem:$0x1CC00] =	vst v63  }
0x45: {  	_ =	swait.ge [sflag:s22], $0x4000  }
0x46: {  	[sflag:s22] =	ssyncset.done $0x0  }
0x47: {  	s31 =	simm.s32 $0x2800;
	[sflag:s22] =	ssyncadd.s32 $0xFFFFC000  }
0x48: {  	[spmem:s2] =	stream.indirect.scatter.add.f32 [tilespmem:s18], [sflag:$0x2], $0x80, s31, s21, $0xb8;
	[tilespmem:$0x1CC00] =	vst v63  }
0x49: {  	_ =	swait.ge [sflag:s19], $0x4000  }
0x4a: {  	s26 =	simm.s32 $0x200;
	s28 =	simm.s32 $0x400;
	[sflag:s19] =	ssyncset.done $0x0  }
.LBB2_4:
0x4b: {  	s29 =	sshra.s32 s26, $0x2  }
0x4c: {  	[sflag:s19] =	ssyncadd.s32 $0xFFFFC000;
	s26 =	smov.u32 s28;
	s30 =	sadd.s32 $0x200, s28  }
0x4d: {  	[tilespmem:s18], [sflag:$0x1] =	stream.indirect.gather [hbm4b:s4+s21], $0x80, s29, s21, $0xb8;
	[tilespmem:$0x1CC00] =	vst v63  }
0x4e: {  	p1 =	sne.s32 s28, $0x9A00;
	_ =	swait.ge [sflag:s22], $0x4000  }
.Ltmp1:
0x4f: {  	[sflag:s22] =	ssyncset.done $0x0;
	(pc) =	sbr.rel @p1 .LBB2_4-.Ltmp1, $4  }
0x50: {  	s28 =	sadd.s32 $0x2800, s29;
	[sflag:s22] =	ssyncadd.s32 $0xFFFFC000  }
0x51: {  	[spmem:s2] =	stream.indirect.scatter.add.f32 [tilespmem:s18], [sflag:$0x2], $0x80, s28, s21, $0xb8;
	[tilespmem:$0x1CC00] =	vst v63  }
0x52: {  	_ =	swait.ge [sflag:s19], $0x4000  }
0x53: {  	s28 =	smov.u32 s30;
	[sflag:s19] =	ssyncset.done $0x0  }
0x54: {  	s26 =	sshra.s32 s26, $0x2;
	[sflag:s19] =	ssyncadd.s32 $0xFFFFC000  }
0x55: {  	[tilespmem:s18], [sflag:$0x1] =	stream.indirect.gather [hbm4b:s4+s21], $0x80, s26, s21, $0xb8;
	[tilespmem:$0x1CC00] =	vst v63  }
0x56: {  	_ =	swait.ge [sflag:s22], $0x4000  }
0x57: {  	[sflag:s22] =	ssyncset.done $0x0  }
0x58: {  	s26 =	sadd.s32 $0x2800, s26;
	[sflag:s22] =	ssyncadd.s32 $0xFFFFC000  }
0x59: {  	[spmem:s2] =	stream.indirect.scatter.add.f32 [tilespmem:s18], [sflag:$0x2], $0x80, s26, s21, $0xb8;
	[tilespmem:$0x1CC00] =	vst v63  }
0x5a: {  	_ =	swait.ge [sflag:s19], $0x4000  }
0x5b: {  	s28 =	simm.s32 @!p0 $0x2700;
	[sflag:s19] =	ssyncset.done $0x0  }
0x5c: {  	s29 =	simm.s32 @!p0 $0x5000;
	s26 =	simm.s32 @!p0 $0x80;
	[sflag:s19] =	ssyncadd.s32 $0xFFFFC000  }
0x5d: {  	[tilespmem:s29], [sflag:$0x1] =	stream.indirect.gather @!p0 [hbm4b:s4+s26], $0x80, s28, s26, $0xb8;
	[tilespmem:$0x1CC00] =	vst v63  }
0x5e: {  	s28 =	simm.s32 @!p0 $0x1  }
0x5f: {  	_ =	swait.ge @!p0 [sflag:s28], $0x4000  }
0x60: {  	[sflag:s28] =	ssyncset.done @!p0 $0x0  }
0x61: {  	[sflag:s28] =	ssyncadd.s32 @!p0 $0xFFFFC000;
	s28 =	simm.s32 @!p0 $0x4F00  }
0x62: {  	[spmem:s2] =	stream.indirect.scatter.add.f32 @!p0 [tilespmem:s29], [sflag:$0x2], $0x80, s28, s26, $0xb8;
	[tilespmem:$0x1CC00] =	vst v63  }
0x63: {  	s26 =	simm.s32 @!p0 $0x2  }
0x64: {  	_ =	swait.ge @!p0 [sflag:s26], $0x4000  }
0x65: {  	[sflag:s26] =	ssyncset.done @!p0 $0x0  }
0x66: {  	s29 =	sshll.u32 s0, $0x6;
	[sflag:s26] =	ssyncadd.s32 @!p0 $0xFFFFC000  }
0x67: {  	s30 =	sshrl.u32 s5, $0x3;
	s26 =	sor.u32 $0x1C02, s29;
	[bflag:$0x0] =	sbarrier.arrive $0xFFFF  }
0x68: {  	[hbm:s10], [sflag:s26] =	dma.local [spmem:s30], $0x800  }
0x69: {  	_ =	swait.ge [sflag:s19], $0x800  }
0x6a: {  	[sflag:s19] =	ssyncset.done $0x0  }
0x6b: {  	[sflag:s19] =	ssyncadd.s32 $0xFFFFF800  }
0x6c: {  	[hbm:s15], [sflag:s26] =	dma.local [spmem:s23], $0x800  }
0x6d: {  	_ =	swait.ge [sflag:s19], $0x800  }
0x6e: {  	[sflag:s19] =	ssyncset.done $0x0  }
0x6f: {  	[sflag:s19] =	ssyncadd.s32 $0xFFFFF800  }
0x70: {  	[hbm:s16], [sflag:s26] =	dma.local [spmem:s24], $0x800  }
0x71: {  	_ =	swait.ge [sflag:s19], $0x800  }
0x72: {  	[sflag:s19] =	ssyncset.done $0x0  }
0x73: {  	[sflag:s19] =	ssyncadd.s32 $0xFFFFF800  }
0x74: {  	[hbm:s17], [sflag:s26] =	dma.local [spmem:s25], $0x800  }
0x75: {  	s3 =	sadd.s32 $0x1, s3;
	_ =	swait.ge [sflag:s19], $0x800  }
0x76: {  	p1 =	sne.s32 s3, s11;
	[sflag:s19] =	ssyncset.done $0x0  }
.Ltmp2:
0x77: {  	s31 =	sshrl.u32 s6, $0x3;
	[sflag:s19] =	ssyncadd.s32 $0xFFFFF800;
	(pc) =	sbr.rel @p1 .LBB2_1-.Ltmp2, $4  }
0x78: {  	[hbm:s9], [sflag:s26] =	dma.local [spmem:s31], $0x780  }
0x79: {  	_ =	swait.ge [sflag:s19], $0x780  }
0x7a: {  	[sflag:s19] =	ssyncset.done $0x0  }
0x7b: {  	[sflag:s19] =	ssyncadd.s32 $0xFFFFF880  }
0x7c: {  	_ =	sfence.sel $0x180000  }
0x7d: {  	[bflag:$0x0] =	sbarrier.arrive $0xFFFF  }
0x7e: {  	p0 =	sne.s32 s0, $0x0;
	_ =	strace $0x90000047  }
0x7f: {  	s0 =	sadd.s32 @!p0 $0x100000, s1;
	[bflag:$0x2] =	sbarrier.arrive $0xFFFF  }
0x80: {  	[sflag:s0] =	ssyncadd.tile.s32 @!p0 $0x1;
	_ =	shalt  }
.Lfunc_end2:
_tile_overlayer_lowered:
.L_overlay_start_2:
0x81: {  	(tag) =	ssettag $0x2  }
0x82: {  	s0 =	rddreg [dreg:$0x0];
	s2 =	stileid.u32  }
0x83: {  	s1 =	rddreg [dreg:$0x1];
	p0 =	sne.s32 s2, $0x0  }
0x84: {  	s3 =	rddreg [dreg:$0x2];
	[bflag:$0x3] =	sbarrier.arrive $0xFFFF;
	s2 =	simm.s32 @!p0 $0x1C02  }
0x85: {  	[timem:s3], [sflag:s2] =	dma.local @!p0 [hbm:s0], s1  }
0x86: {  	s0 =	simm.s32 @!p0 $0x2  }
0x87: {  	_ =	swait.ge @!p0 [sflag:s0], s1  }
0x88: {  	s1 =	ssub.s32 @!p0 $0x0, s1;
	[sflag:s0] =	ssyncset.done @!p0 $0x0  }
0x89: {  	[sflag:s0] =	ssyncadd.s32 @!p0 s1  }
0x8a: {  	[bflag:$0x3] =	sbarrier.arrive $0xFFFF  }
0x8b: {  	_ =	shalt  }

</sc_bundles>
